<compile_context>
chip_gen: v7x
topology: tpu7x:2x2x1
jax: 0.10.2.dev20260603
libtpu: 0.0.44.dev20260713+nightly
codegen_flags: <defaults>
</compile_context>

<pallas_src>
import functools

import jax
import jax.numpy as jnp
from jax import lax
from jax.experimental import pallas as pl
from jax.experimental.pallas import tpu as pltpu
from jax.experimental.pallas import tpu_sc as plsc

B = 2
C_IN = 96
H = 64
W = 64
N = H * W
C_OUT = 96
RD = 24
K_SEM = 8
K_SP = 8
K_TOT = K_SP + K_SEM
HID = C_OUT // 2
NEG = -1e30

RT = 256
NT = N // RT
T4 = 512
TBL_W = C_OUT + HID

_OFFS = ((-1, -1), (-1, 0), (-1, 1), (0, -1), (0, 1), (1, -1), (1, 0), (1, 1))


def _k1_body(xf_ref, tw_ref, tb_ref, pw_ref, pb_ref, w1t_ref, w1b_ref, b1_ref,
             xn_ref, xnt_ref, tbl_ref, catt_ref):
    xf = xf_ref[...]
    tw = tw_ref[...]
    xr = lax.dot_general(tw, xf, (((1,), (0,)), ((), ())),
                         preferred_element_type=jnp.float32)
    xr = xr + tb_ref[...]
    xrt = lax.dot_general(xf, tw, (((0,), (1,)), ((), ())),
                          preferred_element_type=jnp.float32)
    xrt = xrt + tb_ref[...].reshape(1, RD)
    inv = lax.rsqrt(jnp.maximum(jnp.sum(xr * xr, axis=0, keepdims=True),
                                1e-24))
    invt = lax.rsqrt(jnp.maximum(jnp.sum(xrt * xrt, axis=1, keepdims=True),
                                 1e-24))
    xn_ref[...] = xr * inv
    xnt_ref[...] = xrt * invt
    xphi = lax.dot_general(xf, pw_ref[...], (((0,), (1,)), ((), ())),
                           preferred_element_type=jnp.float32)
    xphi = xphi + pb_ref[...]
    natt = jnp.dot(xphi, w1b_ref[...],
                   preferred_element_type=jnp.float32)
    catt = jnp.dot(xphi, w1t_ref[...],
                   preferred_element_type=jnp.float32) + b1_ref[...]
    tbl_ref[...] = jnp.concatenate([xphi, natt], axis=1)
    catt_ref[...] = catt


def _k1(xf, theta_w, theta_b, phi_w, phi_b, w1t, w1b, b1):
    return pl.pallas_call(
        _k1_body,
        grid=(B,),
        in_specs=[
            pl.BlockSpec((None, C_IN, N), lambda b: (b, 0, 0)),
            pl.BlockSpec((RD, C_IN), lambda b: (0, 0)),
            pl.BlockSpec((RD, 1), lambda b: (0, 0)),
            pl.BlockSpec((C_OUT, C_IN), lambda b: (0, 0)),
            pl.BlockSpec((1, C_OUT), lambda b: (0, 0)),
            pl.BlockSpec((C_OUT, HID), lambda b: (0, 0)),
            pl.BlockSpec((C_OUT, HID), lambda b: (0, 0)),
            pl.BlockSpec((1, HID), lambda b: (0, 0)),
        ],
        out_specs=[
            pl.BlockSpec((None, RD, N), lambda b: (b, 0, 0)),
            pl.BlockSpec((None, N, RD), lambda b: (b, 0, 0)),
            pl.BlockSpec((None, N, TBL_W), lambda b: (b, 0, 0)),
            pl.BlockSpec((None, N, HID), lambda b: (b, 0, 0)),
        ],
        out_shape=[
            jax.ShapeDtypeStruct((B, RD, N), jnp.float32),
            jax.ShapeDtypeStruct((B, N, RD), jnp.float32),
            jax.ShapeDtypeStruct((B, N, TBL_W), jnp.float32),
            jax.ShapeDtypeStruct((B, N, HID), jnp.float32),
        ],
    )(xf, theta_w, theta_b, phi_w, phi_b, w1t, w1b, b1)


def _k2_body(lhs_ref, rhs_ref, out_ref):
    b = pl.program_id(0)
    t = pl.program_id(1)
    sim = lax.dot_general(lhs_ref[...], rhs_ref[...],
                          (((1,), (0,)), ((), ())),
                          preferred_element_type=jnp.float32)
    r1 = t * RT + lax.broadcasted_iota(jnp.int32, (RT, 1), 0)
    ri1, rj1 = r1 // W, r1 % W
    c1 = lax.broadcasted_iota(jnp.int32, (1, N), 1)
    ci1, cj1 = c1 // W, c1 % W
    spatial = ((jnp.abs(ri1 - ci1) <= 1) &
               (jnp.abs(rj1 - cj1) <= 1))
    sim = jnp.where(spatial, NEG, sim)
    cols = []
    for di, dj in _OFFS:
        ni = jnp.clip(ri1 + di, 0, H - 1)
        nj = jnp.clip(rj1 + dj, 0, W - 1)
        cols.append(ni * W + nj)
    cf = lax.broadcasted_iota(jnp.int32, (1, N), 1).astype(jnp.float32)
    for _ in range(K_SEM):
        m = jnp.max(sim, axis=1, keepdims=True)
        eq = sim == m
        idx = jnp.min(jnp.where(eq, cf, 1e9), axis=1, keepdims=True)
        cols.append(idx.astype(jnp.int32))
        sim = jnp.where(eq, NEG, sim)
    out_ref[...] = jnp.concatenate(cols, axis=1) + b * N


def _k2(xnt, xn):
    return pl.pallas_call(
        _k2_body,
        grid=(B, NT),
        in_specs=[
            pl.BlockSpec((None, RT, RD), lambda b, t: (b, t, 0)),
            pl.BlockSpec((None, RD, N), lambda b, t: (b, 0, 0)),
        ],
        out_specs=pl.BlockSpec((None, RT, K_TOT), lambda b, t: (b, t, 0)),
        out_shape=jax.ShapeDtypeStruct((B, N, K_TOT), jnp.int32),
    )(xnt, xn)


_N_EDGE = B * N * K_TOT
_NW = 32
_CH = 128
_NCH = _N_EDGE // (_NW * _CH)


def _sc_gather(tbl2, idx2):
    mesh = plsc.VectorSubcoreMesh(core_axis_name="c", subcore_axis_name="s")

    nb = 4
    rows_b = nb * _CH

    @functools.partial(
        pl.kernel,
        out_type=jax.ShapeDtypeStruct((_N_EDGE, TBL_W), jnp.float32),
        mesh=mesh,
        scratch_types=[
            pltpu.VMEM((_NCH, _CH), jnp.int32),
            pltpu.VMEM((rows_b, TBL_W), jnp.float32),
            pltpu.SemaphoreType.DMA,
        ],
        compiler_params=pltpu.CompilerParams(use_tc_tiling_on_sc=False),
    )
    def k(tbl_hbm, idx_hbm, out_hbm, idx_v, buf, sem):
        wid = lax.axis_index("s") * 2 + lax.axis_index("c")
        pltpu.sync_copy(idx_hbm.at[pl.ds(wid * _NCH, _NCH)], idx_v)

        def body(o, carry):
            hs = []
            for s in range(nb):
                hs.append(pltpu.async_copy(
                    tbl_hbm.at[idx_v.at[o * nb + s]],
                    buf.at[pl.ds(s * _CH, _CH)], sem))
            for h in hs:
                h.wait()
            pltpu.sync_copy(
                buf, out_hbm.at[pl.ds(wid * _NCH * _CH + o * rows_b, rows_b)])
            return carry

        lax.fori_loop(0, _NCH // nb, body, 0)

    return k(tbl2, idx2)


def _k4_body(g_ref, ca_ref, w2_ref, agg_ref, sa_ref, gm_ref):
    t = pl.program_id(0)
    g = g_ref[...]
    xnb = g[:, :, :C_OUT]
    na = g[:, :, C_OUT:]
    h = jnp.maximum(na + ca_ref[...][:, None, :], 0.0)
    logit = jnp.sum(h * w2_ref[...], axis=2)
    m = jnp.max(logit, axis=1, keepdims=True)
    e = jnp.exp(logit - m)
    w = e / jnp.sum(e, axis=1, keepdims=True)
    agg = jnp.sum(xnb * w[:, :, None], axis=1)
    agg_ref[...] = agg

    @pl.when(t == 0)
    def _():
        sa_ref[...] = jnp.zeros_like(sa_ref)
        gm_ref[...] = jnp.zeros_like(gm_ref)

    sa_ref[...] += jnp.broadcast_to(jnp.sum(agg, axis=0, keepdims=True),
                                    (8, C_OUT))
    gm_ref[...] += lax.dot_general(agg, agg, (((0,), (0,)), ((), ())),
                                   preferred_element_type=jnp.float32)


def _k4(gath3, catt2, w2r):
    n_nodes = B * N
    return pl.pallas_call(
        _k4_body,
        grid=(n_nodes // T4,),
        in_specs=[
            pl.BlockSpec((T4, K_TOT, TBL_W), lambda t: (t, 0, 0)),
            pl.BlockSpec((T4, HID), lambda t: (t, 0)),
            pl.BlockSpec((1, 1, HID), lambda t: (0, 0, 0)),
        ],
        out_specs=[
            pl.BlockSpec((T4, C_OUT), lambda t: (t, 0)),
            pl.BlockSpec((8, C_OUT), lambda t: (0, 0)),
            pl.BlockSpec((C_OUT, C_OUT), lambda t: (0, 0)),
        ],
        out_shape=[
            jax.ShapeDtypeStruct((n_nodes, C_OUT), jnp.float32),
            jax.ShapeDtypeStruct((8, C_OUT), jnp.float32),
            jax.ShapeDtypeStruct((C_OUT, C_OUT), jnp.float32),
        ],
    )(gath3, catt2, w2r)


def _k5_body(agg_ref, sa_ref, gm_ref, pw_ref, pb_ref, gam_ref, bet_ref,
             out_ref):
    inv_n = 1.0 / (B * N)
    mu = sa_ref[...][0:1, :] * inv_n
    egg = gm_ref[...] * inv_n
    cov = egg - lax.dot_general(mu, mu, (((0,), (0,)), ((), ())),
                                preferred_element_type=jnp.float32)
    pw = pw_ref[...]
    mcov = jnp.dot(pw, cov, preferred_element_type=jnp.float32)
    dmat = lax.dot_general(mcov, pw, (((1,), (1,)), ((), ())),
                           preferred_element_type=jnp.float32)
    eye = (lax.broadcasted_iota(jnp.int32, (C_OUT, C_OUT), 0) ==
           lax.broadcasted_iota(jnp.int32, (C_OUT, C_OUT), 1))
    var = jnp.sum(jnp.where(eye, dmat, 0.0), axis=0, keepdims=True)
    mean_o = lax.dot_general(mu, pw, (((1,), (1,)), ((), ())),
                             preferred_element_type=jnp.float32) \
        + pb_ref[...]
    scale = lax.rsqrt(var + 1e-5) * gam_ref[...]
    o = lax.dot_general(agg_ref[...], pw, (((1,), (1,)), ((), ())),
                        preferred_element_type=jnp.float32)
    o = (o + pb_ref[...] - mean_o) * scale + bet_ref[...]
    out_ref[...] = jnp.maximum(o, 0.0)


def _k5(agg3, sa, gm, proj_w, proj_b, gamma, beta):
    return pl.pallas_call(
        _k5_body,
        grid=(B, NT),
        in_specs=[
            pl.BlockSpec((None, RT, C_OUT), lambda b, t: (b, t, 0)),
            pl.BlockSpec((8, C_OUT), lambda b, t: (0, 0)),
            pl.BlockSpec((C_OUT, C_OUT), lambda b, t: (0, 0)),
            pl.BlockSpec((C_OUT, C_OUT), lambda b, t: (0, 0)),
            pl.BlockSpec((1, C_OUT), lambda b, t: (0, 0)),
            pl.BlockSpec((1, C_OUT), lambda b, t: (0, 0)),
            pl.BlockSpec((1, C_OUT), lambda b, t: (0, 0)),
        ],
        out_specs=pl.BlockSpec((None, RT, C_OUT), lambda b, t: (b, t, 0)),
        out_shape=jax.ShapeDtypeStruct((B, N, C_OUT), jnp.float32),
    )(agg3, sa, gm, proj_w, proj_b, gamma, beta)


def kernel(x, theta_w, theta_b, phi_w, phi_b, att_w1, att_b1, att_w2, att_b2,
           proj_w, proj_b, gamma, beta):
    xf = x.reshape(B, C_IN, N)
    w1t = att_w1[:C_OUT]
    w1b = att_w1[C_OUT:]
    xn, xnt, tbl, catt = _k1(
        xf, theta_w, theta_b.reshape(RD, 1), phi_w, phi_b.reshape(1, C_OUT),
        w1t, w1b, att_b1.reshape(1, HID))
    gidx = _k2(xnt, xn)
    gath = _sc_gather(tbl.reshape(B * N, TBL_W),
                      gidx.reshape(_N_EDGE // _CH, _CH))
    agg, sa, gm = _k4(gath.reshape(B * N, K_TOT, TBL_W),
                      catt.reshape(B * N, HID),
                      att_w2.reshape(1, 1, HID))
    out = _k5(agg.reshape(B, N, C_OUT), sa, gm, proj_w,
              proj_b.reshape(1, C_OUT), gamma.reshape(1, C_OUT),
              beta.reshape(1, C_OUT))
    return out.transpose(0, 2, 1).reshape(B, C_OUT, H, W)

# --- scband reference (transcript-rebuilt; emitter-appended) ---
"""Pipeline reference for scband-graph-attention-57956288692827 (READ-ONLY COPY).

The authoritative reference and input builder live on the scoring server;
editing this copy changes nothing except your own understanding.
"""

import jax, jax.numpy as jnp
import numpy as np

B, C_IN, H, W = 2, 96, 64, 64
C_OUT = 96
RD = max(16, C_IN // 4)
K_SEM = 8
TOTAL_K = 8 + K_SEM


def setup_inputs(seed: int = 0) -> dict:
    key = jax.random.key(seed)
    ks = jax.random.split(key, 12)
    s = 0.05
    return {
        "x": jax.random.normal(ks[0], (B, C_IN, H, W), jnp.float32),
        "theta_w": jax.random.normal(ks[1], (RD, C_IN), jnp.float32) * s,
        "theta_b": jax.random.normal(ks[2], (RD,), jnp.float32) * s,
        "phi_w": jax.random.normal(ks[3], (C_OUT, C_IN), jnp.float32) * s,
        "phi_b": jax.random.normal(ks[4], (C_OUT,), jnp.float32) * s,
        "att_w1": jax.random.normal(ks[5], (2 * C_OUT, C_OUT // 2), jnp.float32) * s,
        "att_b1": jax.random.normal(ks[6], (C_OUT // 2,), jnp.float32) * s,
        "att_w2": jax.random.normal(ks[7], (C_OUT // 2, 1), jnp.float32) * s,
        "att_b2": jax.random.normal(ks[8], (1,), jnp.float32) * s,
        "proj_w": jax.random.normal(ks[9], (C_OUT, C_OUT), jnp.float32) * s,
        "proj_b": jax.random.normal(ks[10], (C_OUT,), jnp.float32) * s,
        "gamma": jnp.ones((C_OUT,), jnp.float32),
        "beta": jnp.zeros((C_OUT,), jnp.float32),
    }


def _spatial_idx(Hh, Ww):
    # replicate-padded 3x3 neighborhood indices (center removed), matching
    # F.pad(mode='replicate') + F.unfold(kernel_size=3) on an index image.
    ii, jj = jnp.meshgrid(jnp.arange(Hh), jnp.arange(Ww), indexing='ij')
    offs = [(-1, -1), (-1, 0), (-1, 1), (0, -1), (0, 1), (1, -1), (1, 0), (1, 1)]
    cols = []
    for di, dj in offs:
        ni = jnp.clip(ii + di, 0, Hh - 1)
        nj = jnp.clip(jj + dj, 0, Ww - 1)
        cols.append((ni * Ww + nj).reshape(-1))
    return jnp.stack(cols, axis=-1)  # (N, 8)


def reference(x, theta_w, theta_b, phi_w, phi_b, att_w1, att_b1, att_w2, att_b2, proj_w, proj_b, gamma, beta):
    Bb, Cc, Hh, Ww = x.shape
    N = Hh * Ww
    xf = x.reshape(Bb, Cc, N)
    # theta: 1x1 conv
    x_red = jnp.einsum('rc,bcn->brn', theta_w, xf) + theta_b[None, :, None]
    # hybrid indices
    nrm = jnp.maximum(jnp.linalg.norm(x_red, axis=1, keepdims=True), 1e-12)
    x_norm = x_red / nrm
    sim = jnp.einsum('bcn,bcm->bnm', x_norm, x_norm)  # (B, N, N)
    sp = _spatial_idx(Hh, Ww)  # (N, 8)
    rows = jnp.arange(N)[:, None]
    mask = jnp.zeros((N, N), dtype=bool).at[rows, sp].set(True)
    mask = mask.at[jnp.arange(N), jnp.arange(N)].set(True)
    sim = jnp.where(mask[None, :, :], -jnp.inf, sim)
    _, sem_idx = jax.lax.top_k(sim, K_SEM)  # (B, N, k_semantic)
    sp_b = jnp.broadcast_to(sp[None], (Bb, N, 8))
    final_idx = jnp.concatenate([sp_b, sem_idx.astype(sp_b.dtype)], axis=-1)  # (B, N, 16)
    # phi: 1x1 conv
    x_phi = jnp.einsum('oc,bcn->bno', phi_w, xf) + phi_b[None, None, :]  # (B, N, C_out)
    # batched gather of neighbor features
    neighbor = jax.vmap(lambda v, i: v[i])(x_phi, final_idx)  # (B, N, k, C_out)
    center = jnp.broadcast_to(x_phi[:, :, None, :], neighbor.shape)
    edge = jnp.concatenate([center, neighbor], axis=-1)  # (B, N, k, 2*C_out)
    h = jax.nn.relu(edge @ att_w1 + att_b1)
    att = (h @ att_w2 + att_b2)[..., 0]  # (B, N, k)
    att = jax.nn.softmax(att, axis=-1)
    agg = jnp.sum(neighbor * att[..., None], axis=2)  # (B, N, C_out)
    agg = agg.transpose(0, 2, 1).reshape(Bb, C_OUT, Hh, Ww)
    out = jnp.einsum('oc,bchw->bohw', proj_w, agg) + proj_b[None, :, None, None]
    # SyncBatchNorm (training mode: batch statistics)
    mean = out.mean(axis=(0, 2, 3), keepdims=True)
    var = out.var(axis=(0, 2, 3), keepdims=True)
    out = (out - mean) / jnp.sqrt(var + 1e-5)
    out = out * gamma[None, :, None, None] + beta[None, :, None, None]
    return jax.nn.relu(out)

if __name__ == "__main__":
    import jax
    _d = setup_inputs()
    print(jax.jit(kernel)(*tuple(_d.values())))

</pallas_src>

<mosaic_0001>
#map = affine_map<(d0, d1) -> (0, 0)>
module attributes {stable_mosaic.version = 14 : i64} {
  func.func @k(%arg0: i32, %arg1: i32, %arg2: memref<8192x144xf32, #tpu.memory_space<hbm>>, %arg3: memref<1024x128xi32, #tpu.memory_space<hbm>>, %arg4: memref<131072x144xf32, #tpu.memory_space<hbm>>, %arg5: memref<32x128xi32, #tpu.memory_space<vmem>>, %arg6: memref<512x144xf32, #tpu.memory_space<vmem>>, %arg7: memref<!tpu.dma_semaphore, #tpu.memory_space<semaphore_mem>>) attributes {dimension_semantics = [#tpu.dimension_semantics<core_parallel>, #tpu.dimension_semantics<subcore_parallel>], iteration_bounds = array<i64: 2, 16>, scalar_prefetch = 0 : i64, scratch_operands = 3 : i64, tpu.core_type = #tpu.core_type<sc_vector_subcore>, window_params = [{transform_indices = #map}, {transform_indices = #map}, {transform_indices = #map}]} {
    %mul3A = arith.constant 2 : i32
    %mul3A_0 = arith.muli %arg1, %mul3A : i32
    %add3A = arith.addi %mul3A_0, %arg0 : i32
    %mul3A_1 = arith.constant 32 : i32
    %mul3A_2 = arith.muli %add3A, %mul3A_1 : i32
    "tpu.region"() ({
      %run_scoped3A = tpu.sem_alloc : memref<!tpu.dma_semaphore, #tpu.memory_space<semaphore_mem>>
      %dma_start3A = arith.constant 0 : i32
      %dma_start3A_8 = tpu.memref_slice %arg3[%mul3A_2, %dma_start3A] : memref<1024x128xi32, #tpu.memory_space<hbm>> -> memref<32x128xi32, #tpu.memory_space<hbm>>
      %dma_start3A_9 = arith.constant 0 : i32
      %dma_start3A_10 = tpu.memref_slice %arg3[%mul3A_2, %dma_start3A_9] : memref<1024x128xi32, #tpu.memory_space<hbm>> -> memref<32x128xi32, #tpu.memory_space<hbm>>
      tpu.enqueue_dma source(%dma_start3A_10 : memref<32x128xi32, #tpu.memory_space<hbm>>) target(%arg5 : memref<32x128xi32, #tpu.memory_space<vmem>>) target_semaphore(%run_scoped3A : memref<!tpu.dma_semaphore, #tpu.memory_space<semaphore_mem>>)
      %dma_wait3A = arith.constant 0 : i32
      %dma_wait3A_11 = tpu.memref_slice %arg3[%mul3A_2, %dma_wait3A] : memref<1024x128xi32, #tpu.memory_space<hbm>> -> memref<32x128xi32, #tpu.memory_space<hbm>>
      %dma_wait3A_12 = arith.constant 0 : i32
      %dma_wait3A_13 = tpu.memref_slice %arg3[%mul3A_2, %dma_wait3A_12] : memref<1024x128xi32, #tpu.memory_space<hbm>> -> memref<32x128xi32, #tpu.memory_space<hbm>>
      tpu.wait_dma2 semaphore(%run_scoped3A : memref<!tpu.dma_semaphore, #tpu.memory_space<semaphore_mem>>) src(%dma_wait3A_13 : memref<32x128xi32, #tpu.memory_space<hbm>>) dst(%arg5 : memref<32x128xi32, #tpu.memory_space<vmem>>)
      tpu.yield
    }) : () -> ()
    %scan3A = arith.constant 0 : i32
    %scan3A_3 = arith.constant 0 : i32
    %scan3A_4 = arith.constant 8 : i32
    %scan3A_5 = arith.addi %scan3A_3, %scan3A_4 : i32
    %scan3A_6 = arith.constant 1 : i32
    scf.for %scan3A_8 = %scan3A_3 to %scan3A_5 step %scan3A_6  : i32 {
      %mul3A_9 = arith.constant 4 : i32
      %mul3A_10 = arith.muli %scan3A_8, %mul3A_9 : i32
      %add3A_11 = arith.constant 0 : i32
      %add3A_12 = arith.addi %mul3A_10, %add3A_11 : i32
      %dma_start3A = arith.constant 0 : i32
      %dma_start3A_13 = arith.constant 0 : i32
      %dma_start3A_14 = tpu.memref_slice %arg6[%dma_start3A, %dma_start3A_13] : memref<512x144xf32, #tpu.memory_space<vmem>> -> memref<128x144xf32, #tpu.memory_space<vmem>>
      %dma_start3A_15 = arith.constant 0 : i32
      %dma_start3A_16 = tpu.memref_slice %arg5[%add3A_12, %dma_start3A_15] : memref<32x128xi32, #tpu.memory_space<vmem>> -> memref<1x128xi32, #tpu.memory_space<vmem>>
      %dma_start3A_17 = tpu.memref_squeeze %dma_start3A_16 : memref<1x128xi32, #tpu.memory_space<vmem>> -> memref<128xi32, #tpu.memory_space<vmem>>
      %dma_start3A_18 = arith.constant 0 : i32
      %dma_start3A_19 = arith.constant 0 : i32
      %dma_start3A_20 = tpu.memref_slice %arg2[%dma_start3A_18, %dma_start3A_19] : memref<8192x144xf32, #tpu.memory_space<hbm>> -> memref<8192x144xf32, #tpu.memory_space<hbm>>
      tpu.enqueue_indirect_dma source(%dma_start3A_20 : memref<8192x144xf32, #tpu.memory_space<hbm>>) target(%dma_start3A_14 : memref<128x144xf32, #tpu.memory_space<vmem>>) offsets(%dma_start3A_17 : memref<128xi32, #tpu.memory_space<vmem>>) semaphore(%arg7 : memref<!tpu.dma_semaphore, #tpu.memory_space<semaphore_mem>>)
      %mul3A_21 = arith.constant 4 : i32
      %mul3A_22 = arith.muli %scan3A_8, %mul3A_21 : i32
      %add3A_23 = arith.constant 1 : i32
      %add3A_24 = arith.addi %mul3A_22, %add3A_23 : i32
      %dma_start3A_25 = arith.constant 128 : i32
      %dma_start3A_26 = arith.constant 0 : i32
      %dma_start3A_27 = tpu.memref_slice %arg6[%dma_start3A_25, %dma_start3A_26] : memref<512x144xf32, #tpu.memory_space<vmem>> -> memref<128x144xf32, #tpu.memory_space<vmem>>
      %dma_start3A_28 = arith.constant 0 : i32
      %dma_start3A_29 = tpu.memref_slice %arg5[%add3A_24, %dma_start3A_28] : memref<32x128xi32, #tpu.memory_space<vmem>> -> memref<1x128xi32, #tpu.memory_space<vmem>>
      %dma_start3A_30 = tpu.memref_squeeze %dma_start3A_29 : memref<1x128xi32, #tpu.memory_space<vmem>> -> memref<128xi32, #tpu.memory_space<vmem>>
      %dma_start3A_31 = arith.constant 0 : i32
      %dma_start3A_32 = arith.constant 0 : i32
      %dma_start3A_33 = tpu.memref_slice %arg2[%dma_start3A_31, %dma_start3A_32] : memref<8192x144xf32, #tpu.memory_space<hbm>> -> memref<8192x144xf32, #tpu.memory_space<hbm>>
      tpu.enqueue_indirect_dma source(%dma_start3A_33 : memref<8192x144xf32, #tpu.memory_space<hbm>>) target(%dma_start3A_27 : memref<128x144xf32, #tpu.memory_space<vmem>>) offsets(%dma_start3A_30 : memref<128xi32, #tpu.memory_space<vmem>>) semaphore(%arg7 : memref<!tpu.dma_semaphore, #tpu.memory_space<semaphore_mem>>)
      %mul3A_34 = arith.constant 4 : i32
      %mul3A_35 = arith.muli %scan3A_8, %mul3A_34 : i32
      %add3A_36 = arith.constant 2 : i32
      %add3A_37 = arith.addi %mul3A_35, %add3A_36 : i32
      %dma_start3A_38 = arith.constant 256 : i32
      %dma_start3A_39 = arith.constant 0 : i32
      %dma_start3A_40 = tpu.memref_slice %arg6[%dma_start3A_38, %dma_start3A_39] : memref<512x144xf32, #tpu.memory_space<vmem>> -> memref<128x144xf32, #tpu.memory_space<vmem>>
      %dma_start3A_41 = arith.constant 0 : i32
      %dma_start3A_42 = tpu.memref_slice %arg5[%add3A_37, %dma_start3A_41] : memref<32x128xi32, #tpu.memory_space<vmem>> -> memref<1x128xi32, #tpu.memory_space<vmem>>
      %dma_start3A_43 = tpu.memref_squeeze %dma_start3A_42 : memref<1x128xi32, #tpu.memory_space<vmem>> -> memref<128xi32, #tpu.memory_space<vmem>>
      %dma_start3A_44 = arith.constant 0 : i32
      %dma_start3A_45 = arith.constant 0 : i32
      %dma_start3A_46 = tpu.memref_slice %arg2[%dma_start3A_44, %dma_start3A_45] : memref<8192x144xf32, #tpu.memory_space<hbm>> -> memref<8192x144xf32, #tpu.memory_space<hbm>>
      tpu.enqueue_indirect_dma source(%dma_start3A_46 : memref<8192x144xf32, #tpu.memory_space<hbm>>) target(%dma_start3A_40 : memref<128x144xf32, #tpu.memory_space<vmem>>) offsets(%dma_start3A_43 : memref<128xi32, #tpu.memory_space<vmem>>) semaphore(%arg7 : memref<!tpu.dma_semaphore, #tpu.memory_space<semaphore_mem>>)
      %mul3A_47 = arith.constant 4 : i32
      %mul3A_48 = arith.muli %scan3A_8, %mul3A_47 : i32
      %add3A_49 = arith.constant 3 : i32
      %add3A_50 = arith.addi %mul3A_48, %add3A_49 : i32
      %dma_start3A_51 = arith.constant 384 : i32
      %dma_start3A_52 = arith.constant 0 : i32
      %dma_start3A_53 = tpu.memref_slice %arg6[%dma_start3A_51, %dma_start3A_52] : memref<512x144xf32, #tpu.memory_space<vmem>> -> memref<128x144xf32, #tpu.memory_space<vmem>>
      %dma_start3A_54 = arith.constant 0 : i32
      %dma_start3A_55 = tpu.memref_slice %arg5[%add3A_50, %dma_start3A_54] : memref<32x128xi32, #tpu.memory_space<vmem>> -> memref<1x128xi32, #tpu.memory_space<vmem>>
      %dma_start3A_56 = tpu.memref_squeeze %dma_start3A_55 : memref<1x128xi32, #tpu.memory_space<vmem>> -> memref<128xi32, #tpu.memory_space<vmem>>
      %dma_start3A_57 = arith.constant 0 : i32
      %dma_start3A_58 = arith.constant 0 : i32
      %dma_start3A_59 = tpu.memref_slice %arg2[%dma_start3A_57, %dma_start3A_58] : memref<8192x144xf32, #tpu.memory_space<hbm>> -> memref<8192x144xf32, #tpu.memory_space<hbm>>
      tpu.enqueue_indirect_dma source(%dma_start3A_59 : memref<8192x144xf32, #tpu.memory_space<hbm>>) target(%dma_start3A_53 : memref<128x144xf32, #tpu.memory_space<vmem>>) offsets(%dma_start3A_56 : memref<128xi32, #tpu.memory_space<vmem>>) semaphore(%arg7 : memref<!tpu.dma_semaphore, #tpu.memory_space<semaphore_mem>>)
      %dma_wait3A = arith.constant 0 : i32
      %dma_wait3A_60 = arith.constant 0 : i32
      %dma_wait3A_61 = tpu.memref_slice %arg6[%dma_wait3A, %dma_wait3A_60] : memref<512x144xf32, #tpu.memory_space<vmem>> -> memref<128x144xf32, #tpu.memory_space<vmem>>
      %dma_wait3A_62 = arith.constant 0 : i32
      %dma_wait3A_63 = tpu.memref_slice %arg5[%add3A_12, %dma_wait3A_62] : memref<32x128xi32, #tpu.memory_space<vmem>> -> memref<1x128xi32, #tpu.memory_space<vmem>>
      %dma_wait3A_64 = tpu.memref_squeeze %dma_wait3A_63 : memref<1x128xi32, #tpu.memory_space<vmem>> -> memref<128xi32, #tpu.memory_space<vmem>>
      %dma_wait3A_65 = arith.constant 0 : i32
      %dma_wait3A_66 = arith.constant 0 : i32
      %dma_wait3A_67 = tpu.memref_slice %arg2[%dma_wait3A_65, %dma_wait3A_66] : memref<8192x144xf32, #tpu.memory_space<hbm>> -> memref<8192x144xf32, #tpu.memory_space<hbm>>
      tpu.wait_indirect_dma semaphore(%arg7 : memref<!tpu.dma_semaphore, #tpu.memory_space<semaphore_mem>>) src(%dma_wait3A_67 : memref<8192x144xf32, #tpu.memory_space<hbm>>) dst(%dma_wait3A_61 : memref<128x144xf32, #tpu.memory_space<vmem>>)
      %dma_wait3A_68 = arith.constant 128 : i32
      %dma_wait3A_69 = arith.constant 0 : i32
      %dma_wait3A_70 = tpu.memref_slice %arg6[%dma_wait3A_68, %dma_wait3A_69] : memref<512x144xf32, #tpu.memory_space<vmem>> -> memref<128x144xf32, #tpu.memory_space<vmem>>
      %dma_wait3A_71 = arith.constant 0 : i32
      %dma_wait3A_72 = tpu.memref_slice %arg5[%add3A_24, %dma_wait3A_71] : memref<32x128xi32, #tpu.memory_space<vmem>> -> memref<1x128xi32, #tpu.memory_space<vmem>>
      %dma_wait3A_73 = tpu.memref_squeeze %dma_wait3A_72 : memref<1x128xi32, #tpu.memory_space<vmem>> -> memref<128xi32, #tpu.memory_space<vmem>>
      %dma_wait3A_74 = arith.constant 0 : i32
      %dma_wait3A_75 = arith.constant 0 : i32
      %dma_wait3A_76 = tpu.memref_slice %arg2[%dma_wait3A_74, %dma_wait3A_75] : memref<8192x144xf32, #tpu.memory_space<hbm>> -> memref<8192x144xf32, #tpu.memory_space<hbm>>
      tpu.wait_indirect_dma semaphore(%arg7 : memref<!tpu.dma_semaphore, #tpu.memory_space<semaphore_mem>>) src(%dma_wait3A_76 : memref<8192x144xf32, #tpu.memory_space<hbm>>) dst(%dma_wait3A_70 : memref<128x144xf32, #tpu.memory_space<vmem>>)
      %dma_wait3A_77 = arith.constant 256 : i32
      %dma_wait3A_78 = arith.constant 0 : i32
      %dma_wait3A_79 = tpu.memref_slice %arg6[%dma_wait3A_77, %dma_wait3A_78] : memref<512x144xf32, #tpu.memory_space<vmem>> -> memref<128x144xf32, #tpu.memory_space<vmem>>
      %dma_wait3A_80 = arith.constant 0 : i32
      %dma_wait3A_81 = tpu.memref_slice %arg5[%add3A_37, %dma_wait3A_80] : memref<32x128xi32, #tpu.memory_space<vmem>> -> memref<1x128xi32, #tpu.memory_space<vmem>>
      %dma_wait3A_82 = tpu.memref_squeeze %dma_wait3A_81 : memref<1x128xi32, #tpu.memory_space<vmem>> -> memref<128xi32, #tpu.memory_space<vmem>>
      %dma_wait3A_83 = arith.constant 0 : i32
      %dma_wait3A_84 = arith.constant 0 : i32
      %dma_wait3A_85 = tpu.memref_slice %arg2[%dma_wait3A_83, %dma_wait3A_84] : memref<8192x144xf32, #tpu.memory_space<hbm>> -> memref<8192x144xf32, #tpu.memory_space<hbm>>
      tpu.wait_indirect_dma semaphore(%arg7 : memref<!tpu.dma_semaphore, #tpu.memory_space<semaphore_mem>>) src(%dma_wait3A_85 : memref<8192x144xf32, #tpu.memory_space<hbm>>) dst(%dma_wait3A_79 : memref<128x144xf32, #tpu.memory_space<vmem>>)
      %dma_wait3A_86 = arith.constant 384 : i32
      %dma_wait3A_87 = arith.constant 0 : i32
      %dma_wait3A_88 = tpu.memref_slice %arg6[%dma_wait3A_86, %dma_wait3A_87] : memref<512x144xf32, #tpu.memory_space<vmem>> -> memref<128x144xf32, #tpu.memory_space<vmem>>
      %dma_wait3A_89 = arith.constant 0 : i32
      %dma_wait3A_90 = tpu.memref_slice %arg5[%add3A_50, %dma_wait3A_89] : memref<32x128xi32, #tpu.memory_space<vmem>> -> memref<1x128xi32, #tpu.memory_space<vmem>>
      %dma_wait3A_91 = tpu.memref_squeeze %dma_wait3A_90 : memref<1x128xi32, #tpu.memory_space<vmem>> -> memref<128xi32, #tpu.memory_space<vmem>>
      %dma_wait3A_92 = arith.constant 0 : i32
      %dma_wait3A_93 = arith.constant 0 : i32
      %dma_wait3A_94 = tpu.memref_slice %arg2[%dma_wait3A_92, %dma_wait3A_93] : memref<8192x144xf32, #tpu.memory_space<hbm>> -> memref<8192x144xf32, #tpu.memory_space<hbm>>
      tpu.wait_indirect_dma semaphore(%arg7 : memref<!tpu.dma_semaphore, #tpu.memory_space<semaphore_mem>>) src(%dma_wait3A_94 : memref<8192x144xf32, #tpu.memory_space<hbm>>) dst(%dma_wait3A_88 : memref<128x144xf32, #tpu.memory_space<vmem>>)
      %mul3A_95 = arith.constant 32 : i32
      %mul3A_96 = arith.muli %add3A, %mul3A_95 : i32
      %mul3A_97 = arith.constant 128 : i32
      %mul3A_98 = arith.muli %mul3A_96, %mul3A_97 : i32
      %mul3A_99 = arith.constant 512 : i32
      %mul3A_100 = arith.muli %scan3A_8, %mul3A_99 : i32
      %add3A_101 = arith.addi %mul3A_98, %mul3A_100 : i32
      "tpu.region"() ({
        %run_scoped3A = tpu.sem_alloc : memref<!tpu.dma_semaphore, #tpu.memory_space<semaphore_mem>>
        %dma_start3A_102 = arith.constant 0 : i32
        %dma_start3A_103 = tpu.memref_slice %arg4[%add3A_101, %dma_start3A_102] : memref<131072x144xf32, #tpu.memory_space<hbm>> -> memref<512x144xf32, #tpu.memory_space<hbm>>
        %dma_start3A_104 = arith.constant 0 : i32
        %dma_start3A_105 = tpu.memref_slice %arg4[%add3A_101, %dma_start3A_104] : memref<131072x144xf32, #tpu.memory_space<hbm>> -> memref<512x144xf32, #tpu.memory_space<hbm>>
        tpu.enqueue_dma source(%arg6 : memref<512x144xf32, #tpu.memory_space<vmem>>) target(%dma_start3A_105 : memref<512x144xf32, #tpu.memory_space<hbm>>) target_semaphore(%run_scoped3A : memref<!tpu.dma_semaphore, #tpu.memory_space<semaphore_mem>>)
        %dma_wait3A_106 = arith.constant 0 : i32
        %dma_wait3A_107 = tpu.memref_slice %arg4[%add3A_101, %dma_wait3A_106] : memref<131072x144xf32, #tpu.memory_space<hbm>> -> memref<512x144xf32, #tpu.memory_space<hbm>>
        %dma_wait3A_108 = arith.constant 0 : i32
        %dma_wait3A_109 = tpu.memref_slice %arg4[%add3A_101, %dma_wait3A_108] : memref<131072x144xf32, #tpu.memory_space<hbm>> -> memref<512x144xf32, #tpu.memory_space<hbm>>
        tpu.wait_dma2 semaphore(%run_scoped3A : memref<!tpu.dma_semaphore, #tpu.memory_space<semaphore_mem>>) src(%arg6 : memref<512x144xf32, #tpu.memory_space<vmem>>) dst(%dma_wait3A_109 : memref<512x144xf32, #tpu.memory_space<hbm>>)
        tpu.yield
      }) : () -> ()
    }
    %scan3A_7 = arith.constant 8 : i32
    return
  }
}

module attributes {stable_mosaic.version = 14 : i64} {
  func.func @_k1_body(%arg0: i32, %arg1: memref<1x96x4096xf32, #tpu.memory_space<vmem>>, %arg2: memref<24x96xf32, #tpu.memory_space<vmem>>, %arg3: memref<24x1xf32, #tpu.memory_space<vmem>>, %arg4: memref<96x96xf32, #tpu.memory_space<vmem>>, %arg5: memref<1x96xf32, #tpu.memory_space<vmem>>, %arg6: memref<96x48xf32, #tpu.memory_space<vmem>>, %arg7: memref<96x48xf32, #tpu.memory_space<vmem>>, %arg8: memref<1x48xf32, #tpu.memory_space<vmem>>, %arg9: memref<1x24x4096xf32, #tpu.memory_space<vmem>>, %arg10: memref<1x4096x24xf32, #tpu.memory_space<vmem>>, %arg11: memref<1x4096x144xf32, #tpu.memory_space<vmem>>, %arg12: memref<1x4096x48xf32, #tpu.memory_space<vmem>>) attributes {dimension_semantics = [#tpu.dimension_semantics<arbitrary>], iteration_bounds = array<i64: 2>, scalar_prefetch = 0 : i64, scratch_operands = 0 : i64, tpu.core_type = #tpu.core_type<tc>, window_params = [{transform_indices = @transform_0, window_bounds = array<i64: 1, 96, 4096>}, {pipeline_mode = #tpu.pipeline_mode<synchronous>, transform_indices = @transform_1, window_bounds = array<i64: 24, 96>}, {pipeline_mode = #tpu.pipeline_mode<synchronous>, transform_indices = @transform_2, window_bounds = array<i64: 24, 1>}, {pipeline_mode = #tpu.pipeline_mode<synchronous>, transform_indices = @transform_3, window_bounds = array<i64: 96, 96>}, {pipeline_mode = #tpu.pipeline_mode<synchronous>, transform_indices = @transform_4, window_bounds = array<i64: 1, 96>}, {pipeline_mode = #tpu.pipeline_mode<synchronous>, transform_indices = @transform_5, window_bounds = array<i64: 96, 48>}, {pipeline_mode = #tpu.pipeline_mode<synchronous>, transform_indices = @transform_6, window_bounds = array<i64: 96, 48>}, {pipeline_mode = #tpu.pipeline_mode<synchronous>, transform_indices = @transform_7, window_bounds = array<i64: 1, 48>}, {transform_indices = @transform_8, window_bounds = array<i64: 1, 24, 4096>}, {transform_indices = @transform_9, window_bounds = array<i64: 1, 4096, 24>}, {transform_indices = @transform_10, window_bounds = array<i64: 1, 4096, 144>}, {transform_indices = @transform_11, window_bounds = array<i64: 1, 4096, 48>}]} {
    %get3A = arith.constant 0 : index
    %get3A_0 = arith.constant 0 : index
    %get3A_1 = arith.constant 0 : index
    %get3A_2 = vector.load %arg1[%get3A, %get3A_0, %get3A_1] : memref<1x96x4096xf32, #tpu.memory_space<vmem>>, vector<1x96x4096xf32>
    %get3A_3 = vector.shape_cast %get3A_2 : vector<1x96x4096xf32> to vector<96x4096xf32>
    %get3A_4 = arith.constant 0 : index
    %get3A_5 = arith.constant 0 : index
    %get3A_6 = vector.load %arg2[%get3A_4, %get3A_5] : memref<24x96xf32, #tpu.memory_space<vmem>>, vector<24x96xf32>
    %dot_general3A = arith.constant dense<0.000000e+00> : vector<24x4096xf32>
    %dot_general3A_7 = tpu.matmul %get3A_6, %get3A_3, %dot_general3A {dimension_numbers = #tpu.dot_dimension_numbers<[1], [0], [0], [1], [0, 0, 1, 1], [], []>, transpose_lhs_hint = false} : vector<24x96xf32>, vector<96x4096xf32>, vector<24x4096xf32> -> vector<24x4096xf32>
    %get3A_8 = arith.constant 0 : index
    %get3A_9 = arith.constant 0 : index
    %get3A_10 = vector.load %arg3[%get3A_8, %get3A_9] : memref<24x1xf32, #tpu.memory_space<vmem>>, vector<24x1xf32>
    %add3A = vector.broadcast %get3A_10 : vector<24x1xf32> to vector<24x4096xf32>
    %add3A_11 = arith.addf %dot_general3A_7, %add3A : vector<24x4096xf32>
    %dot_general3A_12 = arith.constant dense<0.000000e+00> : vector<4096x24xf32>
    %dot_general3A_13 = tpu.matmul %get3A_3, %get3A_6, %dot_general3A_12 {dimension_numbers = #tpu.dot_dimension_numbers<[0], [1], [1], [0], [0, 1, 1, 0], [], []>, transpose_lhs_hint = false} : vector<96x4096xf32>, vector<24x96xf32>, vector<4096x24xf32> -> vector<4096x24xf32>
    %get3A_14 = arith.constant 0 : index
    %get3A_15 = arith.constant 0 : index
    %get3A_16 = vector.load %arg3[%get3A_14, %get3A_15] : memref<24x1xf32, #tpu.memory_space<vmem>>, vector<24x1xf32>
    %reshape3A = vector.shape_cast %get3A_16 : vector<24x1xf32> to vector<1x24xf32>
    %add3A_17 = vector.broadcast %reshape3A : vector<1x24xf32> to vector<4096x24xf32>
    %add3A_18 = arith.addf %dot_general3A_13, %add3A_17 : vector<4096x24xf32>
    %mul3A = arith.mulf %add3A_11, %add3A_11 : vector<24x4096xf32>
    %reduce_sum3A = arith.constant dense<0.000000e+00> : vector<4096xf32>
    %reduce_sum3A_19 = vector.multi_reduction <add>, %mul3A, %reduce_sum3A [0] : vector<24x4096xf32> to vector<4096xf32>
    %broadcast_in_dim3A = vector.shape_cast %reduce_sum3A_19 : vector<4096xf32> to vector<1x4096xf32>
    %max3A = arith.constant 1.000000e-24 : f32
    %max3A_20 = vector.broadcast %max3A : f32 to vector<1x4096xf32>
    %max3A_21 = arith.maximumf %broadcast_in_dim3A, %max3A_20 : vector<1x4096xf32>
    %rsqrt3A = math.rsqrt %max3A_21 : vector<1x4096xf32>
    %mul3A_22 = arith.mulf %add3A_18, %add3A_18 : vector<4096x24xf32>
    %reduce_sum3A_23 = arith.constant dense<0.000000e+00> : vector<4096xf32>
    %reduce_sum3A_24 = vector.multi_reduction <add>, %mul3A_22, %reduce_sum3A_23 [1] : vector<4096x24xf32> to vector<4096xf32>
    %broadcast_in_dim3A_25 = vector.shape_cast %reduce_sum3A_24 : vector<4096xf32> to vector<4096x1xf32>
    %max3A_26 = arith.constant 1.000000e-24 : f32
    %max3A_27 = vector.broadcast %max3A_26 : f32 to vector<4096x1xf32>
    %max3A_28 = arith.maximumf %broadcast_in_dim3A_25, %max3A_27 : vector<4096x1xf32>
    %rsqrt3A_29 = math.rsqrt %max3A_28 : vector<4096x1xf32>
    %mul3A_30 = vector.broadcast %rsqrt3A : vector<1x4096xf32> to vector<24x4096xf32>
    %mul3A_31 = arith.mulf %add3A_11, %mul3A_30 : vector<24x4096xf32>
    %swap3A = arith.constant 0 : index
    %swap3A_32 = arith.constant 0 : index
    %swap3A_33 = arith.constant 0 : index
    %swap3A_34 = vector.load %arg9[%swap3A, %swap3A_32, %swap3A_33] : memref<1x24x4096xf32, #tpu.memory_space<vmem>>, vector<1x24x4096xf32>
    %swap3A_35 = vector.shape_cast %swap3A_34 : vector<1x24x4096xf32> to vector<24x4096xf32>
    %swap3A_36 = vector.shape_cast %mul3A_31 : vector<24x4096xf32> to vector<1x24x4096xf32>
    tpu.vector_store %arg9[%swap3A, %swap3A_32, %swap3A_33], %swap3A_36 {strides = array<i32>} : memref<1x24x4096xf32, #tpu.memory_space<vmem>>, vector<1x24x4096xf32>,
    %mul3A_37 = vector.broadcast %rsqrt3A_29 : vector<4096x1xf32> to vector<4096x24xf32>
    %mul3A_38 = arith.mulf %add3A_18, %mul3A_37 : vector<4096x24xf32>
    %swap3A_39 = arith.constant 0 : index
    %swap3A_40 = arith.constant 0 : index
    %swap3A_41 = arith.constant 0 : index
    %swap3A_42 = vector.load %arg10[%swap3A_39, %swap3A_40, %swap3A_41] : memref<1x4096x24xf32, #tpu.memory_space<vmem>>, vector<1x4096x24xf32>
    %swap3A_43 = vector.shape_cast %swap3A_42 : vector<1x4096x24xf32> to vector<4096x24xf32>
    %swap3A_44 = vector.shape_cast %mul3A_38 : vector<4096x24xf32> to vector<1x4096x24xf32>
    tpu.vector_store %arg10[%swap3A_39, %swap3A_40, %swap3A_41], %swap3A_44 {strides = array<i32>} : memref<1x4096x24xf32, #tpu.memory_space<vmem>>, vector<1x4096x24xf32>,
    %get3A_45 = arith.constant 0 : index
    %get3A_46 = arith.constant 0 : index
    %get3A_47 = vector.load %arg4[%get3A_45, %get3A_46] : memref<96x96xf32, #tpu.memory_space<vmem>>, vector<96x96xf32>
    %dot_general3A_48 = arith.constant dense<0.000000e+00> : vector<4096x96xf32>
    %dot_general3A_49 = tpu.matmul %get3A_3, %get3A_47, %dot_general3A_48 {dimension_numbers = #tpu.dot_dimension_numbers<[0], [1], [1], [0], [0, 1, 1, 0], [], []>, transpose_lhs_hint = false} : vector<96x4096xf32>, vector<96x96xf32>, vector<4096x96xf32> -> vector<4096x96xf32>
    %get3A_50 = arith.constant 0 : index
    %get3A_51 = arith.constant 0 : index
    %get3A_52 = vector.load %arg5[%get3A_50, %get3A_51] : memref<1x96xf32, #tpu.memory_space<vmem>>, vector<1x96xf32>
    %add3A_53 = vector.broadcast %get3A_52 : vector<1x96xf32> to vector<4096x96xf32>
    %add3A_54 = arith.addf %dot_general3A_49, %add3A_53 : vector<4096x96xf32>
    %get3A_55 = arith.constant 0 : index
    %get3A_56 = arith.constant 0 : index
    %get3A_57 = vector.load %arg7[%get3A_55, %get3A_56] : memref<96x48xf32, #tpu.memory_space<vmem>>, vector<96x48xf32>
    %dot_general3A_58 = arith.constant dense<0.000000e+00> : vector<4096x48xf32>
    %dot_general3A_59 = tpu.matmul %add3A_54, %get3A_57, %dot_general3A_58 {dimension_numbers = #tpu.dot_dimension_numbers<[1], [0], [0], [1], [0, 0, 1, 1], [], []>, transpose_lhs_hint = false} : vector<4096x96xf32>, vector<96x48xf32>, vector<4096x48xf32> -> vector<4096x48xf32>
    %get3A_60 = arith.constant 0 : index
    %get3A_61 = arith.constant 0 : index
    %get3A_62 = vector.load %arg6[%get3A_60, %get3A_61] : memref<96x48xf32, #tpu.memory_space<vmem>>, vector<96x48xf32>
    %dot_general3A_63 = arith.constant dense<0.000000e+00> : vector<4096x48xf32>
    %dot_general3A_64 = tpu.matmul %add3A_54, %get3A_62, %dot_general3A_63 {dimension_numbers = #tpu.dot_dimension_numbers<[1], [0], [0], [1], [0, 0, 1, 1], [], []>, transpose_lhs_hint = false} : vector<4096x96xf32>, vector<96x48xf32>, vector<4096x48xf32> -> vector<4096x48xf32>
    %get3A_65 = arith.constant 0 : index
    %get3A_66 = arith.constant 0 : index
    %get3A_67 = vector.load %arg8[%get3A_65, %get3A_66] : memref<1x48xf32, #tpu.memory_space<vmem>>, vector<1x48xf32>
    %add3A_68 = vector.broadcast %get3A_67 : vector<1x48xf32> to vector<4096x48xf32>
    %add3A_69 = arith.addf %dot_general3A_64, %add3A_68 : vector<4096x48xf32>
    %concatenate3A = tpu.concatenate %add3A_54, %dot_general3A_59 in 1 : vector<4096x96xf32>, vector<4096x48xf32> -> vector<4096x144xf32>
    %swap3A_70 = arith.constant 0 : index
    %swap3A_71 = arith.constant 0 : index
    %swap3A_72 = arith.constant 0 : index
    %swap3A_73 = vector.load %arg11[%swap3A_70, %swap3A_71, %swap3A_72] : memref<1x4096x144xf32, #tpu.memory_space<vmem>>, vector<1x4096x144xf32>
    %swap3A_74 = vector.shape_cast %swap3A_73 : vector<1x4096x144xf32> to vector<4096x144xf32>
    %swap3A_75 = vector.shape_cast %concatenate3A : vector<4096x144xf32> to vector<1x4096x144xf32>
    tpu.vector_store %arg11[%swap3A_70, %swap3A_71, %swap3A_72], %swap3A_75 {strides = array<i32>} : memref<1x4096x144xf32, #tpu.memory_space<vmem>>, vector<1x4096x144xf32>,
    %swap3A_76 = arith.constant 0 : index
    %swap3A_77 = arith.constant 0 : index
    %swap3A_78 = arith.constant 0 : index
    %swap3A_79 = vector.load %arg12[%swap3A_76, %swap3A_77, %swap3A_78] : memref<1x4096x48xf32, #tpu.memory_space<vmem>>, vector<1x4096x48xf32>
    %swap3A_80 = vector.shape_cast %swap3A_79 : vector<1x4096x48xf32> to vector<4096x48xf32>
    %swap3A_81 = vector.shape_cast %add3A_69 : vector<4096x48xf32> to vector<1x4096x48xf32>
    tpu.vector_store %arg12[%swap3A_76, %swap3A_77, %swap3A_78], %swap3A_81 {strides = array<i32>} : memref<1x4096x48xf32, #tpu.memory_space<vmem>>, vector<1x4096x48xf32>,
    return
  }
  func.func @transform_0(%arg0: i32) -> (i32, i32, i32) {
    %c0_i32 = arith.constant 0 : i32
    %c0_i32_0 = arith.constant 0 : i32
    %c0_i32_1 = arith.constant 0 : i32
    return %arg0, %c0_i32, %c0_i32_0 : i32, i32, i32
  }
  func.func @transform_1(%arg0: i32) -> (i32, i32) {
    %c0_i32 = arith.constant 0 : i32
    %c0_i32_0 = arith.constant 0 : i32
    %c0_i32_1 = arith.constant 0 : i32
    return %c0_i32, %c0_i32_0 : i32, i32
  }
  func.func @transform_2(%arg0: i32) -> (i32, i32) {
    %c0_i32 = arith.constant 0 : i32
    %c0_i32_0 = arith.constant 0 : i32
    %c0_i32_1 = arith.constant 0 : i32
    return %c0_i32, %c0_i32_0 : i32, i32
  }
  func.func @transform_3(%arg0: i32) -> (i32, i32) {
    %c0_i32 = arith.constant 0 : i32
    %c0_i32_0 = arith.constant 0 : i32
    %c0_i32_1 = arith.constant 0 : i32
    return %c0_i32, %c0_i32_0 : i32, i32
  }
  func.func @transform_4(%arg0: i32) -> (i32, i32) {
    %c0_i32 = arith.constant 0 : i32
    %c0_i32_0 = arith.constant 0 : i32
    %c0_i32_1 = arith.constant 0 : i32
    return %c0_i32, %c0_i32_0 : i32, i32
  }
  func.func @transform_5(%arg0: i32) -> (i32, i32) {
    %c0_i32 = arith.constant 0 : i32
    %c0_i32_0 = arith.constant 0 : i32
    %c0_i32_1 = arith.constant 0 : i32
    return %c0_i32, %c0_i32_0 : i32, i32
  }
  func.func @transform_6(%arg0: i32) -> (i32, i32) {
    %c0_i32 = arith.constant 0 : i32
    %c0_i32_0 = arith.constant 0 : i32
    %c0_i32_1 = arith.constant 0 : i32
    return %c0_i32, %c0_i32_0 : i32, i32
  }
  func.func @transform_7(%arg0: i32) -> (i32, i32) {
    %c0_i32 = arith.constant 0 : i32
    %c0_i32_0 = arith.constant 0 : i32
    %c0_i32_1 = arith.constant 0 : i32
    return %c0_i32, %c0_i32_0 : i32, i32
  }
  func.func @transform_8(%arg0: i32) -> (i32, i32, i32) {
    %c0_i32 = arith.constant 0 : i32
    %c0_i32_0 = arith.constant 0 : i32
    %c0_i32_1 = arith.constant 0 : i32
    return %arg0, %c0_i32, %c0_i32_0 : i32, i32, i32
  }
  func.func @transform_9(%arg0: i32) -> (i32, i32, i32) {
    %c0_i32 = arith.constant 0 : i32
    %c0_i32_0 = arith.constant 0 : i32
    %c0_i32_1 = arith.constant 0 : i32
    return %arg0, %c0_i32, %c0_i32_0 : i32, i32, i32
  }
  func.func @transform_10(%arg0: i32) -> (i32, i32, i32) {
    %c0_i32 = arith.constant 0 : i32
    %c0_i32_0 = arith.constant 0 : i32
    %c0_i32_1 = arith.constant 0 : i32
    return %arg0, %c0_i32, %c0_i32_0 : i32, i32, i32
  }
  func.func @transform_11(%arg0: i32) -> (i32, i32, i32) {
    %c0_i32 = arith.constant 0 : i32
    %c0_i32_0 = arith.constant 0 : i32
    %c0_i32_1 = arith.constant 0 : i32
    return %arg0, %c0_i32, %c0_i32_0 : i32, i32, i32
  }
}

module attributes {stable_mosaic.version = 14 : i64} {
  func.func @_k2_body(%arg0: i32, %arg1: i32, %arg2: memref<1x256x24xf32, #tpu.memory_space<vmem>>, %arg3: memref<1x24x4096xf32, #tpu.memory_space<vmem>>, %arg4: memref<1x256x16xi32, #tpu.memory_space<vmem>>) attributes {dimension_semantics = [#tpu.dimension_semantics<arbitrary>, #tpu.dimension_semantics<arbitrary>], iteration_bounds = array<i64: 2, 16>, scalar_prefetch = 0 : i64, scratch_operands = 0 : i64, tpu.core_type = #tpu.core_type<tc>, window_params = [{transform_indices = @transform_0, window_bounds = array<i64: 1, 256, 24>}, {transform_indices = @transform_1, window_bounds = array<i64: 1, 24, 4096>}, {transform_indices = @transform_2, window_bounds = array<i64: 1, 256, 16>}]} {
    %get3A = arith.constant 0 : index
    %get3A_0 = arith.constant 0 : index
    %get3A_1 = arith.constant 0 : index
    %get3A_2 = vector.load %arg2[%get3A, %get3A_0, %get3A_1] : memref<1x256x24xf32, #tpu.memory_space<vmem>>, vector<1x256x24xf32>
    %get3A_3 = vector.shape_cast %get3A_2 : vector<1x256x24xf32> to vector<256x24xf32>
    %get3A_4 = arith.constant 0 : index
    %get3A_5 = arith.constant 0 : index
    %get3A_6 = arith.constant 0 : index
    %get3A_7 = vector.load %arg3[%get3A_4, %get3A_5, %get3A_6] : memref<1x24x4096xf32, #tpu.memory_space<vmem>>, vector<1x24x4096xf32>
    %get3A_8 = vector.shape_cast %get3A_7 : vector<1x24x4096xf32> to vector<24x4096xf32>
    %dot_general3A = arith.constant dense<0.000000e+00> : vector<256x4096xf32>
    %dot_general3A_9 = tpu.matmul %get3A_3, %get3A_8, %dot_general3A {dimension_numbers = #tpu.dot_dimension_numbers<[1], [0], [0], [1], [0, 0, 1, 1], [], []>, transpose_lhs_hint = false} : vector<256x24xf32>, vector<24x4096xf32>, vector<256x4096xf32> -> vector<256x4096xf32>
    %mul3A = arith.constant 256 : i32
    %mul3A_10 = arith.muli %arg1, %mul3A : i32
    %iota3A = tpu.iota {dimensions = array<i32: 0>} : vector<256x1xi32>
    %add3A = vector.broadcast %mul3A_10 : i32 to vector<256x1xi32>
    %add3A_11 = arith.addi %add3A, %iota3A : vector<256x1xi32>
    %jit3A = arith.constant 64 : i32
    %div3A = vector.broadcast %jit3A : i32 to vector<256x1xi32>
    %div3A_12 = arith.divsi %add3A_11, %div3A : vector<256x1xi32>
    %sign3A = arith.constant 0 : i32
    %sign3A_13 = vector.broadcast %sign3A : i32 to vector<256x1xi32>
    %sign3A_14 = arith.cmpi sgt, %add3A_11, %sign3A_13 : vector<256x1xi32>
    %sign3A_15 = arith.extui %sign3A_14 : vector<256x1xi1> to vector<256x1xi32>
    %sign3A_16 = arith.constant 0 : i32
    %sign3A_17 = vector.broadcast %sign3A_16 : i32 to vector<256x1xi32>
    %sign3A_18 = arith.cmpi slt, %add3A_11, %sign3A_17 : vector<256x1xi32>
    %sign3A_19 = arith.extui %sign3A_18 : vector<256x1xi1> to vector<256x1xi32>
    %sign3A_20 = arith.subi %sign3A_15, %sign3A_19 : vector<256x1xi32>
    %sign3A_21 = arith.constant 0 : i32
    %sign3A_22 = arith.cmpi sgt, %jit3A, %sign3A_21 : i32
    %sign3A_23 = arith.extui %sign3A_22 : i1 to i32
    %sign3A_24 = arith.constant 0 : i32
    %sign3A_25 = arith.cmpi slt, %jit3A, %sign3A_24 : i32
    %sign3A_26 = arith.extui %sign3A_25 : i1 to i32
    %sign3A_27 = arith.subi %sign3A_23, %sign3A_26 : i32
    %ne3A = vector.broadcast %sign3A_27 : i32 to vector<256x1xi32>
    %ne3A_28 = arith.cmpi ne, %sign3A_20, %ne3A : vector<256x1xi32>
    %rem3A = vector.broadcast %jit3A : i32 to vector<256x1xi32>
    %rem3A_29 = arith.remsi %add3A_11, %rem3A : vector<256x1xi32>
    %ne3A_30 = arith.constant 0 : i32
    %ne3A_31 = vector.broadcast %ne3A_30 : i32 to vector<256x1xi32>
    %ne3A_32 = arith.cmpi ne, %rem3A_29, %ne3A_31 : vector<256x1xi32>
    %and3A = arith.andi %ne3A_28, %ne3A_32 : vector<256x1xi1>
    %sub3A = arith.constant 1 : i32
    %sub3A_33 = vector.broadcast %sub3A : i32 to vector<256x1xi32>
    %sub3A_34 = arith.subi %div3A_12, %sub3A_33 : vector<256x1xi32>
    %select_n3A = arith.select %and3A, %sub3A_34, %div3A_12 : vector<256x1xi1>, vector<256x1xi32>
    %jit3A_35 = arith.constant 64 : i32
    %eq3A = arith.constant 0 : i32
    %eq3A_36 = arith.cmpi eq, %jit3A_35, %eq3A : i32
    %jit3A_37 = arith.constant 1 : i32
    %select_n3A_38 = arith.select %eq3A_36, %jit3A_37, %jit3A_35 : i32
    %rem3A_39 = vector.broadcast %select_n3A_38 : i32 to vector<256x1xi32>
    %rem3A_40 = arith.remsi %add3A_11, %rem3A_39 : vector<256x1xi32>
    %ne3A_41 = arith.constant 0 : i32
    %ne3A_42 = vector.broadcast %ne3A_41 : i32 to vector<256x1xi32>
    %ne3A_43 = arith.cmpi ne, %rem3A_40, %ne3A_42 : vector<256x1xi32>
    %lt3A = arith.constant 0 : i32
    %lt3A_44 = vector.broadcast %lt3A : i32 to vector<256x1xi32>
    %lt3A_45 = arith.cmpi slt, %rem3A_40, %lt3A_44 : vector<256x1xi32>
    %lt3A_46 = arith.constant 0 : i32
    %lt3A_47 = arith.cmpi slt, %select_n3A_38, %lt3A_46 : i32
    %ne3A_48 = vector.broadcast %lt3A_47 : i1 to vector<256x1xi1>
    %ne3A_49 = vector.broadcast %ne3A_48 : vector<256x1xi1> to vector<256x1xi1>
    %ne3A_50 = arith.xori %lt3A_45, %ne3A_49 : vector<256x1xi1>
    %and3A_51 = arith.andi %ne3A_50, %ne3A_43 : vector<256x1xi1>
    %add3A_52 = vector.broadcast %select_n3A_38 : i32 to vector<256x1xi32>
    %add3A_53 = arith.addi %rem3A_40, %add3A_52 : vector<256x1xi32>
    %select_n3A_54 = arith.select %and3A_51, %add3A_53, %rem3A_40 : vector<256x1xi1>, vector<256x1xi32>
    %iota3A_55 = tpu.iota {dimensions = array<i32: 1>} : vector<1x4096xi32>
    %jit3A_56 = arith.constant 64 : i32
    %div3A_57 = vector.broadcast %jit3A_56 : i32 to vector<1x4096xi32>
    %div3A_58 = arith.divsi %iota3A_55, %div3A_57 : vector<1x4096xi32>
    %sign3A_59 = arith.constant 0 : i32
    %sign3A_60 = vector.broadcast %sign3A_59 : i32 to vector<1x4096xi32>
    %sign3A_61 = arith.cmpi sgt, %iota3A_55, %sign3A_60 : vector<1x4096xi32>
    %sign3A_62 = arith.extui %sign3A_61 : vector<1x4096xi1> to vector<1x4096xi32>
    %sign3A_63 = arith.constant 0 : i32
    %sign3A_64 = vector.broadcast %sign3A_63 : i32 to vector<1x4096xi32>
    %sign3A_65 = arith.cmpi slt, %iota3A_55, %sign3A_64 : vector<1x4096xi32>
    %sign3A_66 = arith.extui %sign3A_65 : vector<1x4096xi1> to vector<1x4096xi32>
    %sign3A_67 = arith.subi %sign3A_62, %sign3A_66 : vector<1x4096xi32>
    %sign3A_68 = arith.constant 0 : i32
    %sign3A_69 = arith.cmpi sgt, %jit3A_56, %sign3A_68 : i32
    %sign3A_70 = arith.extui %sign3A_69 : i1 to i32
    %sign3A_71 = arith.constant 0 : i32
    %sign3A_72 = arith.cmpi slt, %jit3A_56, %sign3A_71 : i32
    %sign3A_73 = arith.extui %sign3A_72 : i1 to i32
    %sign3A_74 = arith.subi %sign3A_70, %sign3A_73 : i32
    %ne3A_75 = vector.broadcast %sign3A_74 : i32 to vector<1x4096xi32>
    %ne3A_76 = arith.cmpi ne, %sign3A_67, %ne3A_75 : vector<1x4096xi32>
    %rem3A_77 = vector.broadcast %jit3A_56 : i32 to vector<1x4096xi32>
    %rem3A_78 = arith.remsi %iota3A_55, %rem3A_77 : vector<1x4096xi32>
    %ne3A_79 = arith.constant 0 : i32
    %ne3A_80 = vector.broadcast %ne3A_79 : i32 to vector<1x4096xi32>
    %ne3A_81 = arith.cmpi ne, %rem3A_78, %ne3A_80 : vector<1x4096xi32>
    %and3A_82 = arith.andi %ne3A_76, %ne3A_81 : vector<1x4096xi1>
    %sub3A_83 = arith.constant 1 : i32
    %sub3A_84 = vector.broadcast %sub3A_83 : i32 to vector<1x4096xi32>
    %sub3A_85 = arith.subi %div3A_58, %sub3A_84 : vector<1x4096xi32>
    %select_n3A_86 = arith.select %and3A_82, %sub3A_85, %div3A_58 : vector<1x4096xi1>, vector<1x4096xi32>
    %jit3A_87 = arith.constant 64 : i32
    %eq3A_88 = arith.constant 0 : i32
    %eq3A_89 = arith.cmpi eq, %jit3A_87, %eq3A_88 : i32
    %jit3A_90 = arith.constant 1 : i32
    %select_n3A_91 = arith.select %eq3A_89, %jit3A_90, %jit3A_87 : i32
    %rem3A_92 = vector.broadcast %select_n3A_91 : i32 to vector<1x4096xi32>
    %rem3A_93 = arith.remsi %iota3A_55, %rem3A_92 : vector<1x4096xi32>
    %ne3A_94 = arith.constant 0 : i32
    %ne3A_95 = vector.broadcast %ne3A_94 : i32 to vector<1x4096xi32>
    %ne3A_96 = arith.cmpi ne, %rem3A_93, %ne3A_95 : vector<1x4096xi32>
    %lt3A_97 = arith.constant 0 : i32
    %lt3A_98 = vector.broadcast %lt3A_97 : i32 to vector<1x4096xi32>
    %lt3A_99 = arith.cmpi slt, %rem3A_93, %lt3A_98 : vector<1x4096xi32>
    %lt3A_100 = arith.constant 0 : i32
    %lt3A_101 = arith.cmpi slt, %select_n3A_91, %lt3A_100 : i32
    %ne3A_102 = vector.broadcast %lt3A_101 : i1 to vector<1x4096xi1>
    %ne3A_103 = vector.broadcast %ne3A_102 : vector<1x4096xi1> to vector<1x4096xi1>
    %ne3A_104 = arith.xori %lt3A_99, %ne3A_103 : vector<1x4096xi1>
    %and3A_105 = arith.andi %ne3A_104, %ne3A_96 : vector<1x4096xi1>
    %add3A_106 = vector.broadcast %select_n3A_91 : i32 to vector<1x4096xi32>
    %add3A_107 = arith.addi %rem3A_93, %add3A_106 : vector<1x4096xi32>
    %select_n3A_108 = arith.select %and3A_105, %add3A_107, %rem3A_93 : vector<1x4096xi1>, vector<1x4096xi32>
    %sub3A_109 = vector.broadcast %select_n3A : vector<256x1xi32> to vector<256x4096xi32>
    %sub3A_110 = vector.broadcast %select_n3A_86 : vector<1x4096xi32> to vector<256x4096xi32>
    %sub3A_111 = arith.subi %sub3A_109, %sub3A_110 : vector<256x4096xi32>
    %abs3A = math.absi %sub3A_111 : vector<256x4096xi32>
    %le3A = arith.constant 1 : i32
    %le3A_112 = vector.broadcast %le3A : i32 to vector<256x4096xi32>
    %le3A_113 = arith.cmpi sle, %abs3A, %le3A_112 : vector<256x4096xi32>
    %sub3A_114 = vector.broadcast %select_n3A_54 : vector<256x1xi32> to vector<256x4096xi32>
    %sub3A_115 = vector.broadcast %select_n3A_108 : vector<1x4096xi32> to vector<256x4096xi32>
    %sub3A_116 = arith.subi %sub3A_114, %sub3A_115 : vector<256x4096xi32>
    %abs3A_117 = math.absi %sub3A_116 : vector<256x4096xi32>
    %le3A_118 = arith.constant 1 : i32
    %le3A_119 = vector.broadcast %le3A_118 : i32 to vector<256x4096xi32>
    %le3A_120 = arith.cmpi sle, %abs3A_117, %le3A_119 : vector<256x4096xi32>
    %and3A_121 = arith.andi %le3A_113, %le3A_120 : vector<256x4096xi1>
    %jit3A_122 = arith.constant -1.000000e+30 : f32
    %broadcast_in_dim3A = vector.broadcast %jit3A_122 : f32 to vector<256x4096xf32>
    %select_n3A_123 = arith.select %and3A_121, %broadcast_in_dim3A, %dot_general3A_9 : vector<256x4096xi1>, vector<256x4096xf32>
    %add3A_124 = arith.constant -1 : i32
    %add3A_125 = vector.broadcast %add3A_124 : i32 to vector<256x1xi32>
    %add3A_126 = arith.addi %select_n3A, %add3A_125 : vector<256x1xi32>
    %jit3A_127 = arith.constant 0 : i32
    %jit3A_128 = arith.constant 63 : i32
    %max3A = vector.broadcast %jit3A_127 : i32 to vector<256x1xi32>
    %max3A_129 = arith.maxsi %max3A, %add3A_126 : vector<256x1xi32>
    %min3A = vector.broadcast %jit3A_128 : i32 to vector<256x1xi32>
    %min3A_130 = arith.minsi %min3A, %max3A_129 : vector<256x1xi32>
    %add3A_131 = arith.constant -1 : i32
    %add3A_132 = vector.broadcast %add3A_131 : i32 to vector<256x1xi32>
    %add3A_133 = arith.addi %select_n3A_54, %add3A_132 : vector<256x1xi32>
    %jit3A_134 = arith.constant 0 : i32
    %jit3A_135 = arith.constant 63 : i32
    %max3A_136 = vector.broadcast %jit3A_134 : i32 to vector<256x1xi32>
    %max3A_137 = arith.maxsi %max3A_136, %add3A_133 : vector<256x1xi32>
    %min3A_138 = vector.broadcast %jit3A_135 : i32 to vector<256x1xi32>
    %min3A_139 = arith.minsi %min3A_138, %max3A_137 : vector<256x1xi32>
    %mul3A_140 = arith.constant 64 : i32
    %mul3A_141 = vector.broadcast %mul3A_140 : i32 to vector<256x1xi32>
    %mul3A_142 = arith.muli %min3A_130, %mul3A_141 : vector<256x1xi32>
    %add3A_143 = arith.addi %mul3A_142, %min3A_139 : vector<256x1xi32>
    %add3A_144 = arith.constant -1 : i32
    %add3A_145 = vector.broadcast %add3A_144 : i32 to vector<256x1xi32>
    %add3A_146 = arith.addi %select_n3A, %add3A_145 : vector<256x1xi32>
    %jit3A_147 = arith.constant 0 : i32
    %jit3A_148 = arith.constant 63 : i32
    %max3A_149 = vector.broadcast %jit3A_147 : i32 to vector<256x1xi32>
    %max3A_150 = arith.maxsi %max3A_149, %add3A_146 : vector<256x1xi32>
    %min3A_151 = vector.broadcast %jit3A_148 : i32 to vector<256x1xi32>
    %min3A_152 = arith.minsi %min3A_151, %max3A_150 : vector<256x1xi32>
    %add3A_153 = arith.constant 0 : i32
    %add3A_154 = vector.broadcast %add3A_153 : i32 to vector<256x1xi32>
    %add3A_155 = arith.addi %select_n3A_54, %add3A_154 : vector<256x1xi32>
    %jit3A_156 = arith.constant 0 : i32
    %jit3A_157 = arith.constant 63 : i32
    %max3A_158 = vector.broadcast %jit3A_156 : i32 to vector<256x1xi32>
    %max3A_159 = arith.maxsi %max3A_158, %add3A_155 : vector<256x1xi32>
    %min3A_160 = vector.broadcast %jit3A_157 : i32 to vector<256x1xi32>
    %min3A_161 = arith.minsi %min3A_160, %max3A_159 : vector<256x1xi32>
    %mul3A_162 = arith.constant 64 : i32
    %mul3A_163 = vector.broadcast %mul3A_162 : i32 to vector<256x1xi32>
    %mul3A_164 = arith.muli %min3A_152, %mul3A_163 : vector<256x1xi32>
    %add3A_165 = arith.addi %mul3A_164, %min3A_161 : vector<256x1xi32>
    %add3A_166 = arith.constant -1 : i32
    %add3A_167 = vector.broadcast %add3A_166 : i32 to vector<256x1xi32>
    %add3A_168 = arith.addi %select_n3A, %add3A_167 : vector<256x1xi32>
    %jit3A_169 = arith.constant 0 : i32
    %jit3A_170 = arith.constant 63 : i32
    %max3A_171 = vector.broadcast %jit3A_169 : i32 to vector<256x1xi32>
    %max3A_172 = arith.maxsi %max3A_171, %add3A_168 : vector<256x1xi32>
    %min3A_173 = vector.broadcast %jit3A_170 : i32 to vector<256x1xi32>
    %min3A_174 = arith.minsi %min3A_173, %max3A_172 : vector<256x1xi32>
    %add3A_175 = arith.constant 1 : i32
    %add3A_176 = vector.broadcast %add3A_175 : i32 to vector<256x1xi32>
    %add3A_177 = arith.addi %select_n3A_54, %add3A_176 : vector<256x1xi32>
    %jit3A_178 = arith.constant 0 : i32
    %jit3A_179 = arith.constant 63 : i32
    %max3A_180 = vector.broadcast %jit3A_178 : i32 to vector<256x1xi32>
    %max3A_181 = arith.maxsi %max3A_180, %add3A_177 : vector<256x1xi32>
    %min3A_182 = vector.broadcast %jit3A_179 : i32 to vector<256x1xi32>
    %min3A_183 = arith.minsi %min3A_182, %max3A_181 : vector<256x1xi32>
    %mul3A_184 = arith.constant 64 : i32
    %mul3A_185 = vector.broadcast %mul3A_184 : i32 to vector<256x1xi32>
    %mul3A_186 = arith.muli %min3A_174, %mul3A_185 : vector<256x1xi32>
    %add3A_187 = arith.addi %mul3A_186, %min3A_183 : vector<256x1xi32>
    %add3A_188 = arith.constant 0 : i32
    %add3A_189 = vector.broadcast %add3A_188 : i32 to vector<256x1xi32>
    %add3A_190 = arith.addi %select_n3A, %add3A_189 : vector<256x1xi32>
    %jit3A_191 = arith.constant 0 : i32
    %jit3A_192 = arith.constant 63 : i32
    %max3A_193 = vector.broadcast %jit3A_191 : i32 to vector<256x1xi32>
    %max3A_194 = arith.maxsi %max3A_193, %add3A_190 : vector<256x1xi32>
    %min3A_195 = vector.broadcast %jit3A_192 : i32 to vector<256x1xi32>
    %min3A_196 = arith.minsi %min3A_195, %max3A_194 : vector<256x1xi32>
    %add3A_197 = arith.constant -1 : i32
    %add3A_198 = vector.broadcast %add3A_197 : i32 to vector<256x1xi32>
    %add3A_199 = arith.addi %select_n3A_54, %add3A_198 : vector<256x1xi32>
    %jit3A_200 = arith.constant 0 : i32
    %jit3A_201 = arith.constant 63 : i32
    %max3A_202 = vector.broadcast %jit3A_200 : i32 to vector<256x1xi32>
    %max3A_203 = arith.maxsi %max3A_202, %add3A_199 : vector<256x1xi32>
    %min3A_204 = vector.broadcast %jit3A_201 : i32 to vector<256x1xi32>
    %min3A_205 = arith.minsi %min3A_204, %max3A_203 : vector<256x1xi32>
    %mul3A_206 = arith.constant 64 : i32
    %mul3A_207 = vector.broadcast %mul3A_206 : i32 to vector<256x1xi32>
    %mul3A_208 = arith.muli %min3A_196, %mul3A_207 : vector<256x1xi32>
    %add3A_209 = arith.addi %mul3A_208, %min3A_205 : vector<256x1xi32>
    %add3A_210 = arith.constant 0 : i32
    %add3A_211 = vector.broadcast %add3A_210 : i32 to vector<256x1xi32>
    %add3A_212 = arith.addi %select_n3A, %add3A_211 : vector<256x1xi32>
    %jit3A_213 = arith.constant 0 : i32
    %jit3A_214 = arith.constant 63 : i32
    %max3A_215 = vector.broadcast %jit3A_213 : i32 to vector<256x1xi32>
    %max3A_216 = arith.maxsi %max3A_215, %add3A_212 : vector<256x1xi32>
    %min3A_217 = vector.broadcast %jit3A_214 : i32 to vector<256x1xi32>
    %min3A_218 = arith.minsi %min3A_217, %max3A_216 : vector<256x1xi32>
    %add3A_219 = arith.constant 1 : i32
    %add3A_220 = vector.broadcast %add3A_219 : i32 to vector<256x1xi32>
    %add3A_221 = arith.addi %select_n3A_54, %add3A_220 : vector<256x1xi32>
    %jit3A_222 = arith.constant 0 : i32
    %jit3A_223 = arith.constant 63 : i32
    %max3A_224 = vector.broadcast %jit3A_222 : i32 to vector<256x1xi32>
    %max3A_225 = arith.maxsi %max3A_224, %add3A_221 : vector<256x1xi32>
    %min3A_226 = vector.broadcast %jit3A_223 : i32 to vector<256x1xi32>
    %min3A_227 = arith.minsi %min3A_226, %max3A_225 : vector<256x1xi32>
    %mul3A_228 = arith.constant 64 : i32
    %mul3A_229 = vector.broadcast %mul3A_228 : i32 to vector<256x1xi32>
    %mul3A_230 = arith.muli %min3A_218, %mul3A_229 : vector<256x1xi32>
    %add3A_231 = arith.addi %mul3A_230, %min3A_227 : vector<256x1xi32>
    %add3A_232 = arith.constant 1 : i32
    %add3A_233 = vector.broadcast %add3A_232 : i32 to vector<256x1xi32>
    %add3A_234 = arith.addi %select_n3A, %add3A_233 : vector<256x1xi32>
    %jit3A_235 = arith.constant 0 : i32
    %jit3A_236 = arith.constant 63 : i32
    %max3A_237 = vector.broadcast %jit3A_235 : i32 to vector<256x1xi32>
    %max3A_238 = arith.maxsi %max3A_237, %add3A_234 : vector<256x1xi32>
    %min3A_239 = vector.broadcast %jit3A_236 : i32 to vector<256x1xi32>
    %min3A_240 = arith.minsi %min3A_239, %max3A_238 : vector<256x1xi32>
    %add3A_241 = arith.constant -1 : i32
    %add3A_242 = vector.broadcast %add3A_241 : i32 to vector<256x1xi32>
    %add3A_243 = arith.addi %select_n3A_54, %add3A_242 : vector<256x1xi32>
    %jit3A_244 = arith.constant 0 : i32
    %jit3A_245 = arith.constant 63 : i32
    %max3A_246 = vector.broadcast %jit3A_244 : i32 to vector<256x1xi32>
    %max3A_247 = arith.maxsi %max3A_246, %add3A_243 : vector<256x1xi32>
    %min3A_248 = vector.broadcast %jit3A_245 : i32 to vector<256x1xi32>
    %min3A_249 = arith.minsi %min3A_248, %max3A_247 : vector<256x1xi32>
    %mul3A_250 = arith.constant 64 : i32
    %mul3A_251 = vector.broadcast %mul3A_250 : i32 to vector<256x1xi32>
    %mul3A_252 = arith.muli %min3A_240, %mul3A_251 : vector<256x1xi32>
    %add3A_253 = arith.addi %mul3A_252, %min3A_249 : vector<256x1xi32>
    %add3A_254 = arith.constant 1 : i32
    %add3A_255 = vector.broadcast %add3A_254 : i32 to vector<256x1xi32>
    %add3A_256 = arith.addi %select_n3A, %add3A_255 : vector<256x1xi32>
    %jit3A_257 = arith.constant 0 : i32
    %jit3A_258 = arith.constant 63 : i32
    %max3A_259 = vector.broadcast %jit3A_257 : i32 to vector<256x1xi32>
    %max3A_260 = arith.maxsi %max3A_259, %add3A_256 : vector<256x1xi32>
    %min3A_261 = vector.broadcast %jit3A_258 : i32 to vector<256x1xi32>
    %min3A_262 = arith.minsi %min3A_261, %max3A_260 : vector<256x1xi32>
    %add3A_263 = arith.constant 0 : i32
    %add3A_264 = vector.broadcast %add3A_263 : i32 to vector<256x1xi32>
    %add3A_265 = arith.addi %select_n3A_54, %add3A_264 : vector<256x1xi32>
    %jit3A_266 = arith.constant 0 : i32
    %jit3A_267 = arith.constant 63 : i32
    %max3A_268 = vector.broadcast %jit3A_266 : i32 to vector<256x1xi32>
    %max3A_269 = arith.maxsi %max3A_268, %add3A_265 : vector<256x1xi32>
    %min3A_270 = vector.broadcast %jit3A_267 : i32 to vector<256x1xi32>
    %min3A_271 = arith.minsi %min3A_270, %max3A_269 : vector<256x1xi32>
    %mul3A_272 = arith.constant 64 : i32
    %mul3A_273 = vector.broadcast %mul3A_272 : i32 to vector<256x1xi32>
    %mul3A_274 = arith.muli %min3A_262, %mul3A_273 : vector<256x1xi32>
    %add3A_275 = arith.addi %mul3A_274, %min3A_271 : vector<256x1xi32>
    %add3A_276 = arith.constant 1 : i32
    %add3A_277 = vector.broadcast %add3A_276 : i32 to vector<256x1xi32>
    %add3A_278 = arith.addi %select_n3A, %add3A_277 : vector<256x1xi32>
    %jit3A_279 = arith.constant 0 : i32
    %jit3A_280 = arith.constant 63 : i32
    %max3A_281 = vector.broadcast %jit3A_279 : i32 to vector<256x1xi32>
    %max3A_282 = arith.maxsi %max3A_281, %add3A_278 : vector<256x1xi32>
    %min3A_283 = vector.broadcast %jit3A_280 : i32 to vector<256x1xi32>
    %min3A_284 = arith.minsi %min3A_283, %max3A_282 : vector<256x1xi32>
    %add3A_285 = arith.constant 1 : i32
    %add3A_286 = vector.broadcast %add3A_285 : i32 to vector<256x1xi32>
    %add3A_287 = arith.addi %select_n3A_54, %add3A_286 : vector<256x1xi32>
    %jit3A_288 = arith.constant 0 : i32
    %jit3A_289 = arith.constant 63 : i32
    %max3A_290 = vector.broadcast %jit3A_288 : i32 to vector<256x1xi32>
    %max3A_291 = arith.maxsi %max3A_290, %add3A_287 : vector<256x1xi32>
    %min3A_292 = vector.broadcast %jit3A_289 : i32 to vector<256x1xi32>
    %min3A_293 = arith.minsi %min3A_292, %max3A_291 : vector<256x1xi32>
    %mul3A_294 = arith.constant 64 : i32
    %mul3A_295 = vector.broadcast %mul3A_294 : i32 to vector<256x1xi32>
    %mul3A_296 = arith.muli %min3A_284, %mul3A_295 : vector<256x1xi32>
    %add3A_297 = arith.addi %mul3A_296, %min3A_293 : vector<256x1xi32>
    %iota3A_298 = tpu.iota {dimensions = array<i32: 1>} : vector<1x4096xi32>
    %convert_element_type3A = arith.sitofp %iota3A_298 : vector<1x4096xi32> to vector<1x4096xf32>
    %reduce_max3A = arith.constant dense<0xFF800000> : vector<256xf32>
    %reduce_max3A_299 = vector.multi_reduction <maximumf>, %select_n3A_123, %reduce_max3A [1] : vector<256x4096xf32> to vector<256xf32>
    %broadcast_in_dim3A_300 = vector.shape_cast %reduce_max3A_299 : vector<256xf32> to vector<256x1xf32>
    %eq3A_301 = vector.broadcast %broadcast_in_dim3A_300 : vector<256x1xf32> to vector<256x4096xf32>
    %eq3A_302 = arith.cmpf oeq, %select_n3A_123, %eq3A_301 : vector<256x4096xf32>
    %jit3A_303 = arith.constant 1.000000e+09 : f32
    %broadcast_in_dim3A_304 = vector.shape_cast %convert_element_type3A : vector<1x4096xf32> to vector<1x4096xf32>
    %broadcast_in_dim3A_305 = vector.broadcast %broadcast_in_dim3A_304 : vector<1x4096xf32> to vector<256x4096xf32>
    %broadcast_in_dim3A_306 = vector.broadcast %jit3A_303 : f32 to vector<256x4096xf32>
    %select_n3A_307 = arith.select %eq3A_302, %broadcast_in_dim3A_305, %broadcast_in_dim3A_306 : vector<256x4096xi1>, vector<256x4096xf32>
    %reduce_min3A = arith.constant dense<0x7F800000> : vector<256xf32>
    %reduce_min3A_308 = vector.multi_reduction <minimumf>, %select_n3A_307, %reduce_min3A [1] : vector<256x4096xf32> to vector<256xf32>
    %broadcast_in_dim3A_309 = vector.shape_cast %reduce_min3A_308 : vector<256xf32> to vector<256x1xf32>
    %convert_element_type3A_310 = arith.fptosi %broadcast_in_dim3A_309 : vector<256x1xf32> to vector<256x1xi32>
    %jit3A_311 = arith.constant -1.000000e+30 : f32
    %broadcast_in_dim3A_312 = vector.broadcast %jit3A_311 : f32 to vector<256x4096xf32>
    %select_n3A_313 = arith.select %eq3A_302, %broadcast_in_dim3A_312, %select_n3A_123 : vector<256x4096xi1>, vector<256x4096xf32>
    %reduce_max3A_314 = arith.constant dense<0xFF800000> : vector<256xf32>
    %reduce_max3A_315 = vector.multi_reduction <maximumf>, %select_n3A_313, %reduce_max3A_314 [1] : vector<256x4096xf32> to vector<256xf32>
    %broadcast_in_dim3A_316 = vector.shape_cast %reduce_max3A_315 : vector<256xf32> to vector<256x1xf32>
    %eq3A_317 = vector.broadcast %broadcast_in_dim3A_316 : vector<256x1xf32> to vector<256x4096xf32>
    %eq3A_318 = arith.cmpf oeq, %select_n3A_313, %eq3A_317 : vector<256x4096xf32>
    %jit3A_319 = arith.constant 1.000000e+09 : f32
    %broadcast_in_dim3A_320 = vector.shape_cast %convert_element_type3A : vector<1x4096xf32> to vector<1x4096xf32>
    %broadcast_in_dim3A_321 = vector.broadcast %broadcast_in_dim3A_320 : vector<1x4096xf32> to vector<256x4096xf32>
    %broadcast_in_dim3A_322 = vector.broadcast %jit3A_319 : f32 to vector<256x4096xf32>
    %select_n3A_323 = arith.select %eq3A_318, %broadcast_in_dim3A_321, %broadcast_in_dim3A_322 : vector<256x4096xi1>, vector<256x4096xf32>
    %reduce_min3A_324 = arith.constant dense<0x7F800000> : vector<256xf32>
    %reduce_min3A_325 = vector.multi_reduction <minimumf>, %select_n3A_323, %reduce_min3A_324 [1] : vector<256x4096xf32> to vector<256xf32>
    %broadcast_in_dim3A_326 = vector.shape_cast %reduce_min3A_325 : vector<256xf32> to vector<256x1xf32>
    %convert_element_type3A_327 = arith.fptosi %broadcast_in_dim3A_326 : vector<256x1xf32> to vector<256x1xi32>
    %jit3A_328 = arith.constant -1.000000e+30 : f32
    %broadcast_in_dim3A_329 = vector.broadcast %jit3A_328 : f32 to vector<256x4096xf32>
    %select_n3A_330 = arith.select %eq3A_318, %broadcast_in_dim3A_329, %select_n3A_313 : vector<256x4096xi1>, vector<256x4096xf32>
    %reduce_max3A_331 = arith.constant dense<0xFF800000> : vector<256xf32>
    %reduce_max3A_332 = vector.multi_reduction <maximumf>, %select_n3A_330, %reduce_max3A_331 [1] : vector<256x4096xf32> to vector<256xf32>
    %broadcast_in_dim3A_333 = vector.shape_cast %reduce_max3A_332 : vector<256xf32> to vector<256x1xf32>
    %eq3A_334 = vector.broadcast %broadcast_in_dim3A_333 : vector<256x1xf32> to vector<256x4096xf32>
    %eq3A_335 = arith.cmpf oeq, %select_n3A_330, %eq3A_334 : vector<256x4096xf32>
    %jit3A_336 = arith.constant 1.000000e+09 : f32
    %broadcast_in_dim3A_337 = vector.shape_cast %convert_element_type3A : vector<1x4096xf32> to vector<1x4096xf32>
    %broadcast_in_dim3A_338 = vector.broadcast %broadcast_in_dim3A_337 : vector<1x4096xf32> to vector<256x4096xf32>
    %broadcast_in_dim3A_339 = vector.broadcast %jit3A_336 : f32 to vector<256x4096xf32>
    %select_n3A_340 = arith.select %eq3A_335, %broadcast_in_dim3A_338, %broadcast_in_dim3A_339 : vector<256x4096xi1>, vector<256x4096xf32>
    %reduce_min3A_341 = arith.constant dense<0x7F800000> : vector<256xf32>
    %reduce_min3A_342 = vector.multi_reduction <minimumf>, %select_n3A_340, %reduce_min3A_341 [1] : vector<256x4096xf32> to vector<256xf32>
    %broadcast_in_dim3A_343 = vector.shape_cast %reduce_min3A_342 : vector<256xf32> to vector<256x1xf32>
    %convert_element_type3A_344 = arith.fptosi %broadcast_in_dim3A_343 : vector<256x1xf32> to vector<256x1xi32>
    %jit3A_345 = arith.constant -1.000000e+30 : f32
    %broadcast_in_dim3A_346 = vector.broadcast %jit3A_345 : f32 to vector<256x4096xf32>
    %select_n3A_347 = arith.select %eq3A_335, %broadcast_in_dim3A_346, %select_n3A_330 : vector<256x4096xi1>, vector<256x4096xf32>
    %reduce_max3A_348 = arith.constant dense<0xFF800000> : vector<256xf32>
    %reduce_max3A_349 = vector.multi_reduction <maximumf>, %select_n3A_347, %reduce_max3A_348 [1] : vector<256x4096xf32> to vector<256xf32>
    %broadcast_in_dim3A_350 = vector.shape_cast %reduce_max3A_349 : vector<256xf32> to vector<256x1xf32>
    %eq3A_351 = vector.broadcast %broadcast_in_dim3A_350 : vector<256x1xf32> to vector<256x4096xf32>
    %eq3A_352 = arith.cmpf oeq, %select_n3A_347, %eq3A_351 : vector<256x4096xf32>
    %jit3A_353 = arith.constant 1.000000e+09 : f32
    %broadcast_in_dim3A_354 = vector.shape_cast %convert_element_type3A : vector<1x4096xf32> to vector<1x4096xf32>
    %broadcast_in_dim3A_355 = vector.broadcast %broadcast_in_dim3A_354 : vector<1x4096xf32> to vector<256x4096xf32>
    %broadcast_in_dim3A_356 = vector.broadcast %jit3A_353 : f32 to vector<256x4096xf32>
    %select_n3A_357 = arith.select %eq3A_352, %broadcast_in_dim3A_355, %broadcast_in_dim3A_356 : vector<256x4096xi1>, vector<256x4096xf32>
    %reduce_min3A_358 = arith.constant dense<0x7F800000> : vector<256xf32>
    %reduce_min3A_359 = vector.multi_reduction <minimumf>, %select_n3A_357, %reduce_min3A_358 [1] : vector<256x4096xf32> to vector<256xf32>
    %broadcast_in_dim3A_360 = vector.shape_cast %reduce_min3A_359 : vector<256xf32> to vector<256x1xf32>
    %convert_element_type3A_361 = arith.fptosi %broadcast_in_dim3A_360 : vector<256x1xf32> to vector<256x1xi32>
    %jit3A_362 = arith.constant -1.000000e+30 : f32
    %broadcast_in_dim3A_363 = vector.broadcast %jit3A_362 : f32 to vector<256x4096xf32>
    %select_n3A_364 = arith.select %eq3A_352, %broadcast_in_dim3A_363, %select_n3A_347 : vector<256x4096xi1>, vector<256x4096xf32>
    %reduce_max3A_365 = arith.constant dense<0xFF800000> : vector<256xf32>
    %reduce_max3A_366 = vector.multi_reduction <maximumf>, %select_n3A_364, %reduce_max3A_365 [1] : vector<256x4096xf32> to vector<256xf32>
    %broadcast_in_dim3A_367 = vector.shape_cast %reduce_max3A_366 : vector<256xf32> to vector<256x1xf32>
    %eq3A_368 = vector.broadcast %broadcast_in_dim3A_367 : vector<256x1xf32> to vector<256x4096xf32>
    %eq3A_369 = arith.cmpf oeq, %select_n3A_364, %eq3A_368 : vector<256x4096xf32>
    %jit3A_370 = arith.constant 1.000000e+09 : f32
    %broadcast_in_dim3A_371 = vector.shape_cast %convert_element_type3A : vector<1x4096xf32> to vector<1x4096xf32>
    %broadcast_in_dim3A_372 = vector.broadcast %broadcast_in_dim3A_371 : vector<1x4096xf32> to vector<256x4096xf32>
    %broadcast_in_dim3A_373 = vector.broadcast %jit3A_370 : f32 to vector<256x4096xf32>
    %select_n3A_374 = arith.select %eq3A_369, %broadcast_in_dim3A_372, %broadcast_in_dim3A_373 : vector<256x4096xi1>, vector<256x4096xf32>
    %reduce_min3A_375 = arith.constant dense<0x7F800000> : vector<256xf32>
    %reduce_min3A_376 = vector.multi_reduction <minimumf>, %select_n3A_374, %reduce_min3A_375 [1] : vector<256x4096xf32> to vector<256xf32>
    %broadcast_in_dim3A_377 = vector.shape_cast %reduce_min3A_376 : vector<256xf32> to vector<256x1xf32>
    %convert_element_type3A_378 = arith.fptosi %broadcast_in_dim3A_377 : vector<256x1xf32> to vector<256x1xi32>
    %jit3A_379 = arith.constant -1.000000e+30 : f32
    %broadcast_in_dim3A_380 = vector.broadcast %jit3A_379 : f32 to vector<256x4096xf32>
    %select_n3A_381 = arith.select %eq3A_369, %broadcast_in_dim3A_380, %select_n3A_364 : vector<256x4096xi1>, vector<256x4096xf32>
    %reduce_max3A_382 = arith.constant dense<0xFF800000> : vector<256xf32>
    %reduce_max3A_383 = vector.multi_reduction <maximumf>, %select_n3A_381, %reduce_max3A_382 [1] : vector<256x4096xf32> to vector<256xf32>
    %broadcast_in_dim3A_384 = vector.shape_cast %reduce_max3A_383 : vector<256xf32> to vector<256x1xf32>
    %eq3A_385 = vector.broadcast %broadcast_in_dim3A_384 : vector<256x1xf32> to vector<256x4096xf32>
    %eq3A_386 = arith.cmpf oeq, %select_n3A_381, %eq3A_385 : vector<256x4096xf32>
    %jit3A_387 = arith.constant 1.000000e+09 : f32
    %broadcast_in_dim3A_388 = vector.shape_cast %convert_element_type3A : vector<1x4096xf32> to vector<1x4096xf32>
    %broadcast_in_dim3A_389 = vector.broadcast %broadcast_in_dim3A_388 : vector<1x4096xf32> to vector<256x4096xf32>
    %broadcast_in_dim3A_390 = vector.broadcast %jit3A_387 : f32 to vector<256x4096xf32>
    %select_n3A_391 = arith.select %eq3A_386, %broadcast_in_dim3A_389, %broadcast_in_dim3A_390 : vector<256x4096xi1>, vector<256x4096xf32>
    %reduce_min3A_392 = arith.constant dense<0x7F800000> : vector<256xf32>
    %reduce_min3A_393 = vector.multi_reduction <minimumf>, %select_n3A_391, %reduce_min3A_392 [1] : vector<256x4096xf32> to vector<256xf32>
    %broadcast_in_dim3A_394 = vector.shape_cast %reduce_min3A_393 : vector<256xf32> to vector<256x1xf32>
    %convert_element_type3A_395 = arith.fptosi %broadcast_in_dim3A_394 : vector<256x1xf32> to vector<256x1xi32>
    %jit3A_396 = arith.constant -1.000000e+30 : f32
    %broadcast_in_dim3A_397 = vector.broadcast %jit3A_396 : f32 to vector<256x4096xf32>
    %select_n3A_398 = arith.select %eq3A_386, %broadcast_in_dim3A_397, %select_n3A_381 : vector<256x4096xi1>, vector<256x4096xf32>
    %reduce_max3A_399 = arith.constant dense<0xFF800000> : vector<256xf32>
    %reduce_max3A_400 = vector.multi_reduction <maximumf>, %select_n3A_398, %reduce_max3A_399 [1] : vector<256x4096xf32> to vector<256xf32>
    %broadcast_in_dim3A_401 = vector.shape_cast %reduce_max3A_400 : vector<256xf32> to vector<256x1xf32>
    %eq3A_402 = vector.broadcast %broadcast_in_dim3A_401 : vector<256x1xf32> to vector<256x4096xf32>
    %eq3A_403 = arith.cmpf oeq, %select_n3A_398, %eq3A_402 : vector<256x4096xf32>
    %jit3A_404 = arith.constant 1.000000e+09 : f32
    %broadcast_in_dim3A_405 = vector.shape_cast %convert_element_type3A : vector<1x4096xf32> to vector<1x4096xf32>
    %broadcast_in_dim3A_406 = vector.broadcast %broadcast_in_dim3A_405 : vector<1x4096xf32> to vector<256x4096xf32>
    %broadcast_in_dim3A_407 = vector.broadcast %jit3A_404 : f32 to vector<256x4096xf32>
    %select_n3A_408 = arith.select %eq3A_403, %broadcast_in_dim3A_406, %broadcast_in_dim3A_407 : vector<256x4096xi1>, vector<256x4096xf32>
    %reduce_min3A_409 = arith.constant dense<0x7F800000> : vector<256xf32>
    %reduce_min3A_410 = vector.multi_reduction <minimumf>, %select_n3A_408, %reduce_min3A_409 [1] : vector<256x4096xf32> to vector<256xf32>
    %broadcast_in_dim3A_411 = vector.shape_cast %reduce_min3A_410 : vector<256xf32> to vector<256x1xf32>
    %convert_element_type3A_412 = arith.fptosi %broadcast_in_dim3A_411 : vector<256x1xf32> to vector<256x1xi32>
    %jit3A_413 = arith.constant -1.000000e+30 : f32
    %broadcast_in_dim3A_414 = vector.broadcast %jit3A_413 : f32 to vector<256x4096xf32>
    %select_n3A_415 = arith.select %eq3A_403, %broadcast_in_dim3A_414, %select_n3A_398 : vector<256x4096xi1>, vector<256x4096xf32>
    %reduce_max3A_416 = arith.constant dense<0xFF800000> : vector<256xf32>
    %reduce_max3A_417 = vector.multi_reduction <maximumf>, %select_n3A_415, %reduce_max3A_416 [1] : vector<256x4096xf32> to vector<256xf32>
    %broadcast_in_dim3A_418 = vector.shape_cast %reduce_max3A_417 : vector<256xf32> to vector<256x1xf32>
    %eq3A_419 = vector.broadcast %broadcast_in_dim3A_418 : vector<256x1xf32> to vector<256x4096xf32>
    %eq3A_420 = arith.cmpf oeq, %select_n3A_415, %eq3A_419 : vector<256x4096xf32>
    %jit3A_421 = arith.constant 1.000000e+09 : f32
    %broadcast_in_dim3A_422 = vector.shape_cast %convert_element_type3A : vector<1x4096xf32> to vector<1x4096xf32>
    %broadcast_in_dim3A_423 = vector.broadcast %broadcast_in_dim3A_422 : vector<1x4096xf32> to vector<256x4096xf32>
    %broadcast_in_dim3A_424 = vector.broadcast %jit3A_421 : f32 to vector<256x4096xf32>
    %select_n3A_425 = arith.select %eq3A_420, %broadcast_in_dim3A_423, %broadcast_in_dim3A_424 : vector<256x4096xi1>, vector<256x4096xf32>
    %reduce_min3A_426 = arith.constant dense<0x7F800000> : vector<256xf32>
    %reduce_min3A_427 = vector.multi_reduction <minimumf>, %select_n3A_425, %reduce_min3A_426 [1] : vector<256x4096xf32> to vector<256xf32>
    %broadcast_in_dim3A_428 = vector.shape_cast %reduce_min3A_427 : vector<256xf32> to vector<256x1xf32>
    %convert_element_type3A_429 = arith.fptosi %broadcast_in_dim3A_428 : vector<256x1xf32> to vector<256x1xi32>
    %concatenate3A = tpu.concatenate %add3A_143, %add3A_165, %add3A_187, %add3A_209, %add3A_231, %add3A_253, %add3A_275, %add3A_297, %convert_element_type3A_310, %convert_element_type3A_327, %convert_element_type3A_344, %convert_element_type3A_361, %convert_element_type3A_378, %convert_element_type3A_395, %convert_element_type3A_412, %convert_element_type3A_429 in 1 : vector<256x1xi32>, vector<256x1xi32>, vector<256x1xi32>, vector<256x1xi32>, vector<256x1xi32>, vector<256x1xi32>, vector<256x1xi32>, vector<256x1xi32>, vector<256x1xi32>, vector<256x1xi32>, vector<256x1xi32>, vector<256x1xi32>, vector<256x1xi32>, vector<256x1xi32>, vector<256x1xi32>, vector<256x1xi32> -> vector<256x16xi32>
    %mul3A_430 = arith.constant 4096 : i32
    %mul3A_431 = arith.muli %arg0, %mul3A_430 : i32
    %add3A_432 = vector.broadcast %mul3A_431 : i32 to vector<256x16xi32>
    %add3A_433 = arith.addi %concatenate3A, %add3A_432 : vector<256x16xi32>
    %swap3A = arith.constant 0 : index
    %swap3A_434 = arith.constant 0 : index
    %swap3A_435 = arith.constant 0 : index
    %swap3A_436 = vector.load %arg4[%swap3A, %swap3A_434, %swap3A_435] : memref<1x256x16xi32, #tpu.memory_space<vmem>>, vector<1x256x16xi32>
    %swap3A_437 = vector.shape_cast %swap3A_436 : vector<1x256x16xi32> to vector<256x16xi32>
    %swap3A_438 = vector.shape_cast %add3A_433 : vector<256x16xi32> to vector<1x256x16xi32>
    tpu.vector_store %arg4[%swap3A, %swap3A_434, %swap3A_435], %swap3A_438 {strides = array<i32>} : memref<1x256x16xi32, #tpu.memory_space<vmem>>, vector<1x256x16xi32>,
    return
  }
  func.func @transform_0(%arg0: i32, %arg1: i32) -> (i32, i32, i32) {
    %c0_i32 = arith.constant 0 : i32
    %c0_i32_0 = arith.constant 0 : i32
    return %arg0, %arg1, %c0_i32 : i32, i32, i32
  }
  func.func @transform_1(%arg0: i32, %arg1: i32) -> (i32, i32, i32) {
    %c0_i32 = arith.constant 0 : i32
    %c0_i32_0 = arith.constant 0 : i32
    %c0_i32_1 = arith.constant 0 : i32
    return %arg0, %c0_i32, %c0_i32_0 : i32, i32, i32
  }
  func.func @transform_2(%arg0: i32, %arg1: i32) -> (i32, i32, i32) {
    %c0_i32 = arith.constant 0 : i32
    %c0_i32_0 = arith.constant 0 : i32
    return %arg0, %arg1, %c0_i32 : i32, i32, i32
  }
}

module attributes {stable_mosaic.version = 14 : i64} {
  func.func @_k4_body(%arg0: i32, %arg1: memref<512x16x144xf32, #tpu.memory_space<vmem>>, %arg2: memref<512x48xf32, #tpu.memory_space<vmem>>, %arg3: memref<1x1x48xf32, #tpu.memory_space<vmem>>, %arg4: memref<512x96xf32, #tpu.memory_space<vmem>>, %arg5: memref<8x96xf32, #tpu.memory_space<vmem>>, %arg6: memref<96x96xf32, #tpu.memory_space<vmem>>) attributes {dimension_semantics = [#tpu.dimension_semantics<arbitrary>], iteration_bounds = array<i64: 16>, scalar_prefetch = 0 : i64, scratch_operands = 0 : i64, tpu.core_type = #tpu.core_type<tc>, window_params = [{transform_indices = @transform_0, window_bounds = array<i64: 512, 16, 144>}, {transform_indices = @transform_1, window_bounds = array<i64: 512, 48>}, {pipeline_mode = #tpu.pipeline_mode<synchronous>, transform_indices = @transform_2, window_bounds = array<i64: 1, 1, 48>}, {transform_indices = @transform_3, window_bounds = array<i64: 512, 96>}, {pipeline_mode = #tpu.pipeline_mode<synchronous>, transform_indices = @transform_4, window_bounds = array<i64: 8, 96>}, {pipeline_mode = #tpu.pipeline_mode<synchronous>, transform_indices = @transform_5, window_bounds = array<i64: 96, 96>}]} {
    %get3A = arith.constant 0 : index
    %get3A_0 = arith.constant 0 : index
    %get3A_1 = arith.constant 0 : index
    %get3A_2 = vector.load %arg1[%get3A, %get3A_0, %get3A_1] : memref<512x16x144xf32, #tpu.memory_space<vmem>>, vector<512x16x144xf32>
    %slice3A = vector.extract_strided_slice %get3A_2 {offsets = [0, 0, 0], sizes = [512, 16, 96], strides = [1, 1, 1]} : vector<512x16x144xf32> to vector<512x16x96xf32>
    %slice3A_3 = vector.extract_strided_slice %get3A_2 {offsets = [0, 0, 96], sizes = [512, 16, 48], strides = [1, 1, 1]} : vector<512x16x144xf32> to vector<512x16x48xf32>
    %get3A_4 = arith.constant 0 : index
    %get3A_5 = arith.constant 0 : index
    %get3A_6 = vector.load %arg2[%get3A_4, %get3A_5] : memref<512x48xf32, #tpu.memory_space<vmem>>, vector<512x48xf32>
    %broadcast_in_dim3A = vector.shape_cast %get3A_6 : vector<512x48xf32> to vector<512x1x48xf32>
    %add3A = vector.broadcast %broadcast_in_dim3A : vector<512x1x48xf32> to vector<512x16x48xf32>
    %add3A_7 = arith.addf %slice3A_3, %add3A : vector<512x16x48xf32>
    %max3A = arith.constant 0.000000e+00 : f32
    %max3A_8 = vector.broadcast %max3A : f32 to vector<512x16x48xf32>
    %max3A_9 = arith.maximumf %add3A_7, %max3A_8 : vector<512x16x48xf32>
    %get3A_10 = arith.constant 0 : index
    %get3A_11 = arith.constant 0 : index
    %get3A_12 = arith.constant 0 : index
    %get3A_13 = vector.load %arg3[%get3A_10, %get3A_11, %get3A_12] : memref<1x1x48xf32, #tpu.memory_space<vmem>>, vector<1x1x48xf32>
    %mul3A = vector.broadcast %get3A_13 : vector<1x1x48xf32> to vector<512x16x48xf32>
    %mul3A_14 = arith.mulf %max3A_9, %mul3A : vector<512x16x48xf32>
    %reduce_sum3A = arith.constant dense<0.000000e+00> : vector<512x16xf32>
    %reduce_sum3A_15 = vector.multi_reduction <add>, %mul3A_14, %reduce_sum3A [2] : vector<512x16x48xf32> to vector<512x16xf32>
    %reduce_max3A = arith.constant dense<0xFF800000> : vector<512xf32>
    %reduce_max3A_16 = vector.multi_reduction <maximumf>, %reduce_sum3A_15, %reduce_max3A [1] : vector<512x16xf32> to vector<512xf32>
    %broadcast_in_dim3A_17 = vector.shape_cast %reduce_max3A_16 : vector<512xf32> to vector<512x1xf32>
    %sub3A = vector.broadcast %broadcast_in_dim3A_17 : vector<512x1xf32> to vector<512x16xf32>
    %sub3A_18 = arith.subf %reduce_sum3A_15, %sub3A : vector<512x16xf32>
    %exp3A = math.exp %sub3A_18 : vector<512x16xf32>
    %reduce_sum3A_19 = arith.constant dense<0.000000e+00> : vector<512xf32>
    %reduce_sum3A_20 = vector.multi_reduction <add>, %exp3A, %reduce_sum3A_19 [1] : vector<512x16xf32> to vector<512xf32>
    %broadcast_in_dim3A_21 = vector.shape_cast %reduce_sum3A_20 : vector<512xf32> to vector<512x1xf32>
    %div3A = vector.broadcast %broadcast_in_dim3A_21 : vector<512x1xf32> to vector<512x16xf32>
    %div3A_22 = arith.divf %exp3A, %div3A : vector<512x16xf32>
    %broadcast_in_dim3A_23 = vector.shape_cast %div3A_22 : vector<512x16xf32> to vector<512x16x1xf32>
    %mul3A_24 = vector.broadcast %broadcast_in_dim3A_23 : vector<512x16x1xf32> to vector<512x16x96xf32>
    %mul3A_25 = arith.mulf %slice3A, %mul3A_24 : vector<512x16x96xf32>
    %reduce_sum3A_26 = arith.constant dense<0.000000e+00> : vector<512x96xf32>
    %reduce_sum3A_27 = vector.multi_reduction <add>, %mul3A_25, %reduce_sum3A_26 [1] : vector<512x16x96xf32> to vector<512x96xf32>
    %swap3A = arith.constant 0 : index
    %swap3A_28 = arith.constant 0 : index
    %swap3A_29 = vector.load %arg4[%swap3A, %swap3A_28] : memref<512x96xf32, #tpu.memory_space<vmem>>, vector<512x96xf32>
    tpu.vector_store %arg4[%swap3A, %swap3A_28], %reduce_sum3A_27 {strides = array<i32>} : memref<512x96xf32, #tpu.memory_space<vmem>>, vector<512x96xf32>,
    %eq3A = arith.constant 0 : i32
    %eq3A_30 = arith.cmpi eq, %arg0, %eq3A : i32
    %convert_element_type3A = arith.extui %eq3A_30 : i1 to i32
    %cond3A = arith.constant 0 : i32
    %cond3A_31 = arith.cmpi ne, %convert_element_type3A, %cond3A : i32
    scf.if %cond3A_31 {
      %broadcast_in_dim3A_52 = arith.constant 0.000000e+00 : f32
      %broadcast_in_dim3A_53 = vector.broadcast %broadcast_in_dim3A_52 : f32 to vector<8x96xf32>
      %swap3A_54 = arith.constant 0 : index
      %swap3A_55 = arith.constant 0 : index
      %swap3A_56 = vector.load %arg5[%swap3A_54, %swap3A_55] : memref<8x96xf32, #tpu.memory_space<vmem>>, vector<8x96xf32>
      tpu.vector_store %arg5[%swap3A_54, %swap3A_55], %broadcast_in_dim3A_53 {strides = array<i32>} : memref<8x96xf32, #tpu.memory_space<vmem>>, vector<8x96xf32>,
      %broadcast_in_dim3A_57 = arith.constant 0.000000e+00 : f32
      %broadcast_in_dim3A_58 = vector.broadcast %broadcast_in_dim3A_57 : f32 to vector<96x96xf32>
      %swap3A_59 = arith.constant 0 : index
      %swap3A_60 = arith.constant 0 : index
      %swap3A_61 = vector.load %arg6[%swap3A_59, %swap3A_60] : memref<96x96xf32, #tpu.memory_space<vmem>>, vector<96x96xf32>
      tpu.vector_store %arg6[%swap3A_59, %swap3A_60], %broadcast_in_dim3A_58 {strides = array<i32>} : memref<96x96xf32, #tpu.memory_space<vmem>>, vector<96x96xf32>,
    } else {
    }
    %get3A_32 = arith.constant 0 : index
    %get3A_33 = arith.constant 0 : index
    %get3A_34 = vector.load %arg5[%get3A_32, %get3A_33] : memref<8x96xf32, #tpu.memory_space<vmem>>, vector<8x96xf32>
    %reduce_sum3A_35 = arith.constant dense<0.000000e+00> : vector<96xf32>
    %reduce_sum3A_36 = vector.multi_reduction <add>, %reduce_sum3A_27, %reduce_sum3A_35 [0] : vector<512x96xf32> to vector<96xf32>
    %broadcast_in_dim3A_37 = vector.shape_cast %reduce_sum3A_36 : vector<96xf32> to vector<1x96xf32>
    %broadcast_in_dim3A_38 = vector.shape_cast %broadcast_in_dim3A_37 : vector<1x96xf32> to vector<1x96xf32>
    %broadcast_in_dim3A_39 = vector.broadcast %broadcast_in_dim3A_38 : vector<1x96xf32> to vector<8x96xf32>
    %add3A_40 = arith.addf %get3A_34, %broadcast_in_dim3A_39 : vector<8x96xf32>
    %swap3A_41 = arith.constant 0 : index
    %swap3A_42 = arith.constant 0 : index
    %swap3A_43 = vector.load %arg5[%swap3A_41, %swap3A_42] : memref<8x96xf32, #tpu.memory_space<vmem>>, vector<8x96xf32>
    tpu.vector_store %arg5[%swap3A_41, %swap3A_42], %add3A_40 {strides = array<i32>} : memref<8x96xf32, #tpu.memory_space<vmem>>, vector<8x96xf32>,
    %get3A_44 = arith.constant 0 : index
    %get3A_45 = arith.constant 0 : index
    %get3A_46 = vector.load %arg6[%get3A_44, %get3A_45] : memref<96x96xf32, #tpu.memory_space<vmem>>, vector<96x96xf32>
    %dot_general3A = arith.constant dense<0.000000e+00> : vector<96x96xf32>
    %dot_general3A_47 = tpu.matmul %reduce_sum3A_27, %reduce_sum3A_27, %dot_general3A {dimension_numbers = #tpu.dot_dimension_numbers<[0], [0], [1], [1], [0, 1, 1, 1], [], []>, transpose_lhs_hint = false} : vector<512x96xf32>, vector<512x96xf32>, vector<96x96xf32> -> vector<96x96xf32>
    %add3A_48 = arith.addf %get3A_46, %dot_general3A_47 : vector<96x96xf32>
    %swap3A_49 = arith.constant 0 : index
    %swap3A_50 = arith.constant 0 : index
    %swap3A_51 = vector.load %arg6[%swap3A_49, %swap3A_50] : memref<96x96xf32, #tpu.memory_space<vmem>>, vector<96x96xf32>
    tpu.vector_store %arg6[%swap3A_49, %swap3A_50], %add3A_48 {strides = array<i32>} : memref<96x96xf32, #tpu.memory_space<vmem>>, vector<96x96xf32>,
    return
  }
  func.func @transform_0(%arg0: i32) -> (i32, i32, i32) {
    %c0_i32 = arith.constant 0 : i32
    %c0_i32_0 = arith.constant 0 : i32
    %c0_i32_1 = arith.constant 0 : i32
    return %arg0, %c0_i32, %c0_i32_0 : i32, i32, i32
  }
  func.func @transform_1(%arg0: i32) -> (i32, i32) {
    %c0_i32 = arith.constant 0 : i32
    %c0_i32_0 = arith.constant 0 : i32
    return %arg0, %c0_i32 : i32, i32
  }
  func.func @transform_2(%arg0: i32) -> (i32, i32, i32) {
    %c0_i32 = arith.constant 0 : i32
    %c0_i32_0 = arith.constant 0 : i32
    %c0_i32_1 = arith.constant 0 : i32
    %c0_i32_2 = arith.constant 0 : i32
    return %c0_i32, %c0_i32_0, %c0_i32_1 : i32, i32, i32
  }
  func.func @transform_3(%arg0: i32) -> (i32, i32) {
    %c0_i32 = arith.constant 0 : i32
    %c0_i32_0 = arith.constant 0 : i32
    return %arg0, %c0_i32 : i32, i32
  }
  func.func @transform_4(%arg0: i32) -> (i32, i32) {
    %c0_i32 = arith.constant 0 : i32
    %c0_i32_0 = arith.constant 0 : i32
    %c0_i32_1 = arith.constant 0 : i32
    return %c0_i32, %c0_i32_0 : i32, i32
  }
  func.func @transform_5(%arg0: i32) -> (i32, i32) {
    %c0_i32 = arith.constant 0 : i32
    %c0_i32_0 = arith.constant 0 : i32
    %c0_i32_1 = arith.constant 0 : i32
    return %c0_i32, %c0_i32_0 : i32, i32
  }
}

module attributes {stable_mosaic.version = 14 : i64} {
  func.func @_k5_body(%arg0: i32, %arg1: i32, %arg2: memref<1x256x96xf32, #tpu.memory_space<vmem>>, %arg3: memref<8x96xf32, #tpu.memory_space<vmem>>, %arg4: memref<96x96xf32, #tpu.memory_space<vmem>>, %arg5: memref<96x96xf32, #tpu.memory_space<vmem>>, %arg6: memref<1x96xf32, #tpu.memory_space<vmem>>, %arg7: memref<1x96xf32, #tpu.memory_space<vmem>>, %arg8: memref<1x96xf32, #tpu.memory_space<vmem>>, %arg9: memref<1x256x96xf32, #tpu.memory_space<vmem>>) attributes {dimension_semantics = [#tpu.dimension_semantics<arbitrary>, #tpu.dimension_semantics<arbitrary>], iteration_bounds = array<i64: 2, 16>, scalar_prefetch = 0 : i64, scratch_operands = 0 : i64, tpu.core_type = #tpu.core_type<tc>, window_params = [{transform_indices = @transform_0, window_bounds = array<i64: 1, 256, 96>}, {pipeline_mode = #tpu.pipeline_mode<synchronous>, transform_indices = @transform_1, window_bounds = array<i64: 8, 96>}, {pipeline_mode = #tpu.pipeline_mode<synchronous>, transform_indices = @transform_2, window_bounds = array<i64: 96, 96>}, {pipeline_mode = #tpu.pipeline_mode<synchronous>, transform_indices = @transform_3, window_bounds = array<i64: 96, 96>}, {pipeline_mode = #tpu.pipeline_mode<synchronous>, transform_indices = @transform_4, window_bounds = array<i64: 1, 96>}, {pipeline_mode = #tpu.pipeline_mode<synchronous>, transform_indices = @transform_5, window_bounds = array<i64: 1, 96>}, {pipeline_mode = #tpu.pipeline_mode<synchronous>, transform_indices = @transform_6, window_bounds = array<i64: 1, 96>}, {transform_indices = @transform_7, window_bounds = array<i64: 1, 256, 96>}]} {
    %get3A = arith.constant 0 : index
    %get3A_0 = arith.constant 0 : index
    %get3A_1 = vector.load %arg3[%get3A, %get3A_0] : memref<8x96xf32, #tpu.memory_space<vmem>>, vector<8x96xf32>
    %slice3A = vector.extract_strided_slice %get3A_1 {offsets = [0, 0], sizes = [1, 96], strides = [1, 1]} : vector<8x96xf32> to vector<1x96xf32>
    %mul3A = arith.constant 1.22070313E-4 : f32
    %mul3A_2 = vector.broadcast %mul3A : f32 to vector<1x96xf32>
    %mul3A_3 = arith.mulf %slice3A, %mul3A_2 : vector<1x96xf32>
    %get3A_4 = arith.constant 0 : index
    %get3A_5 = arith.constant 0 : index
    %get3A_6 = vector.load %arg4[%get3A_4, %get3A_5] : memref<96x96xf32, #tpu.memory_space<vmem>>, vector<96x96xf32>
    %mul3A_7 = arith.constant 1.22070313E-4 : f32
    %mul3A_8 = vector.broadcast %mul3A_7 : f32 to vector<96x96xf32>
    %mul3A_9 = arith.mulf %get3A_6, %mul3A_8 : vector<96x96xf32>
    %dot_general3A = arith.constant dense<0.000000e+00> : vector<96x96xf32>
    %dot_general3A_10 = tpu.matmul %mul3A_3, %mul3A_3, %dot_general3A {dimension_numbers = #tpu.dot_dimension_numbers<[0], [0], [1], [1], [0, 1, 1, 1], [], []>, transpose_lhs_hint = false} : vector<1x96xf32>, vector<1x96xf32>, vector<96x96xf32> -> vector<96x96xf32>
    %sub3A = arith.subf %mul3A_9, %dot_general3A_10 : vector<96x96xf32>
    %get3A_11 = arith.constant 0 : index
    %get3A_12 = arith.constant 0 : index
    %get3A_13 = vector.load %arg5[%get3A_11, %get3A_12] : memref<96x96xf32, #tpu.memory_space<vmem>>, vector<96x96xf32>
    %dot_general3A_14 = arith.constant dense<0.000000e+00> : vector<96x96xf32>
    %dot_general3A_15 = tpu.matmul %get3A_13, %sub3A, %dot_general3A_14 {dimension_numbers = #tpu.dot_dimension_numbers<[1], [0], [0], [1], [0, 0, 1, 1], [], []>, transpose_lhs_hint = false} : vector<96x96xf32>, vector<96x96xf32>, vector<96x96xf32> -> vector<96x96xf32>
    %dot_general3A_16 = arith.constant dense<0.000000e+00> : vector<96x96xf32>
    %dot_general3A_17 = tpu.matmul %dot_general3A_15, %get3A_13, %dot_general3A_16 {dimension_numbers = #tpu.dot_dimension_numbers<[1], [1], [0], [0], [0, 0, 1, 0], [], []>, transpose_lhs_hint = false} : vector<96x96xf32>, vector<96x96xf32>, vector<96x96xf32> -> vector<96x96xf32>
    %iota3A = tpu.iota {dimensions = array<i32: 0>} : vector<96x96xi32>
    %iota3A_18 = tpu.iota {dimensions = array<i32: 1>} : vector<96x96xi32>
    %eq3A = arith.cmpi eq, %iota3A, %iota3A_18 : vector<96x96xi32>
    %jit3A = arith.constant 0.000000e+00 : f32
    %broadcast_in_dim3A = vector.broadcast %jit3A : f32 to vector<96x96xf32>
    %select_n3A = arith.select %eq3A, %dot_general3A_17, %broadcast_in_dim3A : vector<96x96xi1>, vector<96x96xf32>
    %reduce_sum3A = arith.constant dense<0.000000e+00> : vector<96xf32>
    %reduce_sum3A_19 = vector.multi_reduction <add>, %select_n3A, %reduce_sum3A [0] : vector<96x96xf32> to vector<96xf32>
    %broadcast_in_dim3A_20 = vector.shape_cast %reduce_sum3A_19 : vector<96xf32> to vector<1x96xf32>
    %dot_general3A_21 = arith.constant dense<0.000000e+00> : vector<1x96xf32>
    %dot_general3A_22 = tpu.matmul %mul3A_3, %get3A_13, %dot_general3A_21 {dimension_numbers = #tpu.dot_dimension_numbers<[1], [1], [0], [0], [0, 0, 1, 0], [], []>, transpose_lhs_hint = false} : vector<1x96xf32>, vector<96x96xf32>, vector<1x96xf32> -> vector<1x96xf32>
    %get3A_23 = arith.constant 0 : index
    %get3A_24 = arith.constant 0 : index
    %get3A_25 = vector.load %arg6[%get3A_23, %get3A_24] : memref<1x96xf32, #tpu.memory_space<vmem>>, vector<1x96xf32>
    %add3A = arith.addf %dot_general3A_22, %get3A_25 : vector<1x96xf32>
    %add3A_26 = arith.constant 9.99999974E-6 : f32
    %add3A_27 = vector.broadcast %add3A_26 : f32 to vector<1x96xf32>
    %add3A_28 = arith.addf %broadcast_in_dim3A_20, %add3A_27 : vector<1x96xf32>
    %rsqrt3A = math.rsqrt %add3A_28 : vector<1x96xf32>
    %get3A_29 = arith.constant 0 : index
    %get3A_30 = arith.constant 0 : index
    %get3A_31 = vector.load %arg7[%get3A_29, %get3A_30] : memref<1x96xf32, #tpu.memory_space<vmem>>, vector<1x96xf32>
    %mul3A_32 = arith.mulf %rsqrt3A, %get3A_31 : vector<1x96xf32>
    %get3A_33 = arith.constant 0 : index
    %get3A_34 = arith.constant 0 : index
    %get3A_35 = arith.constant 0 : index
    %get3A_36 = vector.load %arg2[%get3A_33, %get3A_34, %get3A_35] : memref<1x256x96xf32, #tpu.memory_space<vmem>>, vector<1x256x96xf32>
    %get3A_37 = vector.shape_cast %get3A_36 : vector<1x256x96xf32> to vector<256x96xf32>
    %dot_general3A_38 = arith.constant dense<0.000000e+00> : vector<256x96xf32>
    %dot_general3A_39 = tpu.matmul %get3A_37, %get3A_13, %dot_general3A_38 {dimension_numbers = #tpu.dot_dimension_numbers<[1], [1], [0], [0], [0, 0, 1, 0], [], []>, transpose_lhs_hint = false} : vector<256x96xf32>, vector<96x96xf32>, vector<256x96xf32> -> vector<256x96xf32>
    %get3A_40 = arith.constant 0 : index
    %get3A_41 = arith.constant 0 : index
    %get3A_42 = vector.load %arg6[%get3A_40, %get3A_41] : memref<1x96xf32, #tpu.memory_space<vmem>>, vector<1x96xf32>
    %add3A_43 = vector.broadcast %get3A_42 : vector<1x96xf32> to vector<256x96xf32>
    %add3A_44 = arith.addf %dot_general3A_39, %add3A_43 : vector<256x96xf32>
    %sub3A_45 = vector.broadcast %add3A : vector<1x96xf32> to vector<256x96xf32>
    %sub3A_46 = arith.subf %add3A_44, %sub3A_45 : vector<256x96xf32>
    %mul3A_47 = vector.broadcast %mul3A_32 : vector<1x96xf32> to vector<256x96xf32>
    %mul3A_48 = arith.mulf %sub3A_46, %mul3A_47 : vector<256x96xf32>
    %get3A_49 = arith.constant 0 : index
    %get3A_50 = arith.constant 0 : index
    %get3A_51 = vector.load %arg8[%get3A_49, %get3A_50] : memref<1x96xf32, #tpu.memory_space<vmem>>, vector<1x96xf32>
    %add3A_52 = vector.broadcast %get3A_51 : vector<1x96xf32> to vector<256x96xf32>
    %add3A_53 = arith.addf %mul3A_48, %add3A_52 : vector<256x96xf32>
    %max3A = arith.constant 0.000000e+00 : f32
    %max3A_54 = vector.broadcast %max3A : f32 to vector<256x96xf32>
    %max3A_55 = arith.maximumf %add3A_53, %max3A_54 : vector<256x96xf32>
    %swap3A = arith.constant 0 : index
    %swap3A_56 = arith.constant 0 : index
    %swap3A_57 = arith.constant 0 : index
    %swap3A_58 = vector.load %arg9[%swap3A, %swap3A_56, %swap3A_57] : memref<1x256x96xf32, #tpu.memory_space<vmem>>, vector<1x256x96xf32>
    %swap3A_59 = vector.shape_cast %swap3A_58 : vector<1x256x96xf32> to vector<256x96xf32>
    %swap3A_60 = vector.shape_cast %max3A_55 : vector<256x96xf32> to vector<1x256x96xf32>
    tpu.vector_store %arg9[%swap3A, %swap3A_56, %swap3A_57], %swap3A_60 {strides = array<i32>} : memref<1x256x96xf32, #tpu.memory_space<vmem>>, vector<1x256x96xf32>,
    return
  }
  func.func @transform_0(%arg0: i32, %arg1: i32) -> (i32, i32, i32) {
    %c0_i32 = arith.constant 0 : i32
    %c0_i32_0 = arith.constant 0 : i32
    return %arg0, %arg1, %c0_i32 : i32, i32, i32
  }
  func.func @transform_1(%arg0: i32, %arg1: i32) -> (i32, i32) {
    %c0_i32 = arith.constant 0 : i32
    %c0_i32_0 = arith.constant 0 : i32
    %c0_i32_1 = arith.constant 0 : i32
    return %c0_i32, %c0_i32_0 : i32, i32
  }
  func.func @transform_2(%arg0: i32, %arg1: i32) -> (i32, i32) {
    %c0_i32 = arith.constant 0 : i32
    %c0_i32_0 = arith.constant 0 : i32
    %c0_i32_1 = arith.constant 0 : i32
    return %c0_i32, %c0_i32_0 : i32, i32
  }
  func.func @transform_3(%arg0: i32, %arg1: i32) -> (i32, i32) {
    %c0_i32 = arith.constant 0 : i32
    %c0_i32_0 = arith.constant 0 : i32
    %c0_i32_1 = arith.constant 0 : i32
    return %c0_i32, %c0_i32_0 : i32, i32
  }
  func.func @transform_4(%arg0: i32, %arg1: i32) -> (i32, i32) {
    %c0_i32 = arith.constant 0 : i32
    %c0_i32_0 = arith.constant 0 : i32
    %c0_i32_1 = arith.constant 0 : i32
    return %c0_i32, %c0_i32_0 : i32, i32
  }
  func.func @transform_5(%arg0: i32, %arg1: i32) -> (i32, i32) {
    %c0_i32 = arith.constant 0 : i32
    %c0_i32_0 = arith.constant 0 : i32
    %c0_i32_1 = arith.constant 0 : i32
    return %c0_i32, %c0_i32_0 : i32, i32
  }
  func.func @transform_6(%arg0: i32, %arg1: i32) -> (i32, i32) {
    %c0_i32 = arith.constant 0 : i32
    %c0_i32_0 = arith.constant 0 : i32
    %c0_i32_1 = arith.constant 0 : i32
    return %c0_i32, %c0_i32_0 : i32, i32
  }
  func.func @transform_7(%arg0: i32, %arg1: i32) -> (i32, i32, i32) {
    %c0_i32 = arith.constant 0 : i32
    %c0_i32_0 = arith.constant 0 : i32
    return %arg0, %arg1, %c0_i32 : i32, i32, i32
  }
}

</mosaic_0001>

<sc_bundles>
// kernel: kernel.7.cloned.1.call-start
scs
__scs_entry_jumppad:
0x0: {  	(pc) =	sbr.rel $0x88, $3  }
0x1: {  	(tag) =	ssettag $0x0;
	lr =	simm.s32 $0x1  }
0x2: {  	[smem:$0x3F95] =	sst lr;
	_ =	strace $0xD0000000  }
0x3: {  	_ = 	snop  }
0x4: {  	_ = 	snop  }
0x5: {  	_ = 	snop  }
0x6: {  	_ = 	snop  }
0x7: {  	_ = 	snop  }
__scs_overlays_trampoline_lowered:
0x8: {  	[smem:$0x3FA4] =	sst s0  }
0x9: {  	[smem:$0x3FA5] =	sst s1  }
0xa: {  	[smem:$0x3FA6] =	sst s2  }
0xb: {  	[smem:$0x3FA7] =	sst s3  }
0xc: {  	[smem:$0x3FA8] =	sst s4  }
0xd: {  	[smem:$0x3FA9] =	sst s5  }
0xe: {  	[smem:$0x3FAA] =	sst s6  }
0xf: {  	[smem:$0x3FAB] =	sst s7  }
0x10: {  	[smem:$0x3FAC] =	sst s8  }
0x11: {  	[smem:$0x3FAD] =	sst s9;
	s0 =	simm.s32 @!p0 $0x0  }
0x12: {  	s1 =	sld [smem:$0x3F93];
	s0 =	simm.s32 @p0 $0x1  }
0x13: {  	[smem:$0x3FAE] =	sst s0;
	s0 =	simm.s32 @!p1 $0x0  }
0x14: {  	s2 =	sld [smem:$0x3F92];
	s0 =	simm.s32 @p1 $0x1  }
0x15: {  	[smem:$0x3FAF] =	sst s0;
	s0 =	simm.s32 @!p2 $0x0  }
0x16: {  	s3 =	sld [smem:$0x3FDB];
	s0 =	simm.s32 @p2 $0x1  }
0x17: {  	s4 =	simm.s32 $0x1BF5;
	[smem:$0x3FB1] =	sst s0  }
0x18: {  	s0 =	sld [smem:$0x3F94];
	_ =	swait.ge [sflag:s4], $0x0  }
0x19: {  	s7 =	sld [smem:$0x3F95]  }
0x1a: {  	s8 =	sadd.s32 $0xFFFFE003, lr  }
0x1b: {  	s9 =	sadd.s32 $0xFFFFFEF7, lr;
	s5 =	simm.s32 $0xFFFFFFFF;
	p2 =	slt.u32 s8, $0xFFFFF086  }
0x1c: {  	p1 =	slt.u32 s9, $0xF7A;
	s5 =	simm.s32 @!p2 $0x0  }
0x1d: {  	s5 =	simm.s32 @p1 $0x1;
	p0 =	seq.s32 s7, s2  }
0x1e: {  	s7 =	smul.u32 @!p0 $0xF7A, s2;
	p2 =	seq.s32 @!p0 s5, $0x0  }
0x1f: {  	s9 =	smul.u32 $0xF7A, s1;
	s8 =	simm.s32 @!p0 $0x1BF5;
	p2 =	por !p2, p0  }
0x20: {  	[sflag:s8] =	ssyncset.s32 @!p0 $0xFFFFF086;
	s6 =	sadd.s32 @!p0 s3, s7;
	s7 =	simm.s32 @!p0 $0x108  }
0x21: {  	s3 =	sadd.s32 s3, s9;
	s6 =	sadd.s32 @!p0 $0x88, s6;
	s7 =	simm.s32 @p2 $0x1082  }
0x22: {  	[simem:s7], [sflag:s8] =	dma.local @!p0 [hbm:s6], $0xF7A  }
0x23: {  	s9 =	sor.u32 $0xD0000000, s2;
	s6 =	simm.s32 $0x108;
	_ =	swait.ge @!p0 [sflag:s8], $0x0  }
0x24: {  	s3 =	sadd.s32 $0x88, s3;
	s6 =	simm.s32 @!p1 $0x1082;
	[sflag:s4] =	ssyncset.s32 $0xFFFFF086  }
0x25: {  	[simem:s6], [sflag:s4] =	dma.local [hbm:s3], $0xF7A  }
0x26: {  	[smem:$0x3F95] =	sst s1;
	(tag) =	ssettag s2;
	_ =	strace s9  }
0x27: {  	s1 =	sld [smem:$0x3FA5]  }
0x28: {  	s2 =	sld [smem:$0x3FA6]  }
0x29: {  	s4 =	sld [smem:$0x3FA8]  }
0x2a: {  	p0 =	seq.s32 s5, $0x0;
	s5 =	sld [smem:$0x3FA9]  }
0x2b: {  	s6 =	sld [smem:$0x3FAA]  }
0x2c: {  	s7 =	sld [smem:$0x3FAB]  }
0x2d: {  	s3 =	simm.s32 $0x108;
	s8 =	sld [smem:$0x3FAC]  }
0x2e: {  	s3 =	simm.s32 @!p0 $0x1082;
	s9 =	sld [smem:$0x3FAD]  }
0x2f: {  	lr =	sadd.s32 s0, s3;
	s0 =	sld [smem:$0x3FA4]  }
0x30: {  	s3 =	sld [smem:$0x3FA7]  }
0x31: {  	[smem:$0x3FB0] =	sst s10  }
0x32: {  	s10 =	sld [smem:$0x3FAE];
	_ =	sdelay $0x3  }
0x33: {  	p0 =	seq.s32 s10, $0x1;
	s10 =	sld [smem:$0x3FB0];
	_ =	sdelay $0x3  }
0x34: {  	[smem:$0x3FB0] =	sst s10  }
0x35: {  	s10 =	sld [smem:$0x3FAF];
	_ =	sdelay $0x3  }
0x36: {  	p1 =	seq.s32 s10, $0x1;
	s10 =	sld [smem:$0x3FB0];
	_ =	sdelay $0x3  }
0x37: {  	[smem:$0x3FB0] =	sst s10  }
0x38: {  	s10 =	sld [smem:$0x3FB1]  }
0x39: {  	_ = 	snop;
	(pc) =	sbr.ind lr, $3  }
0x3a: {  	_ = 	snop  }
0x3b: {  	_ = 	snop  }
0x3c: {  	p2 =	seq.s32 s10, $0x1;
	s10 =	sld [smem:$0x3FB0]  }
0x3d: {  	_ =	shalt  }
0x3e: {  	_ =	shalt  }
0x3f: {  	_ =	shalt  }
0x40: {  	_ =	shalt  }
0x41: {  	_ =	shalt  }
0x42: {  	_ =	shalt  }
0x43: {  	_ =	shalt  }
0x44: {  	_ =	shalt  }
0x45: {  	_ =	shalt  }
0x46: {  	_ =	shalt  }
0x47: {  	_ =	shalt  }
0x48: {  	_ =	shalt  }
0x49: {  	_ =	shalt  }
0x4a: {  	_ =	shalt  }
0x4b: {  	_ =	shalt  }
0x4c: {  	_ =	shalt  }
0x4d: {  	_ =	shalt  }
0x4e: {  	_ =	shalt  }
0x4f: {  	_ =	shalt  }
0x50: {  	_ =	shalt  }
0x51: {  	_ =	shalt  }
0x52: {  	_ =	shalt  }
0x53: {  	_ =	shalt  }
0x54: {  	_ =	shalt  }
0x55: {  	_ =	shalt  }
0x56: {  	_ =	shalt  }
0x57: {  	_ =	shalt  }
0x58: {  	_ =	shalt  }
0x59: {  	_ =	shalt  }
0x5a: {  	_ =	shalt  }
0x5b: {  	_ =	shalt  }
0x5c: {  	_ =	shalt  }
0x5d: {  	_ =	shalt  }
0x5e: {  	_ =	shalt  }
0x5f: {  	_ =	shalt  }
0x60: {  	_ =	shalt  }
0x61: {  	_ =	shalt  }
0x62: {  	_ =	shalt  }
0x63: {  	_ =	shalt  }
0x64: {  	_ =	shalt  }
0x65: {  	_ =	shalt  }
0x66: {  	_ =	shalt  }
0x67: {  	_ =	shalt  }
0x68: {  	_ =	shalt  }
0x69: {  	_ =	shalt  }
0x6a: {  	_ =	shalt  }
0x6b: {  	_ =	shalt  }
0x6c: {  	_ =	shalt  }
0x6d: {  	_ =	shalt  }
0x6e: {  	_ =	shalt  }
0x6f: {  	_ =	shalt  }
0x70: {  	_ =	shalt  }
0x71: {  	_ =	shalt  }
0x72: {  	_ =	shalt  }
0x73: {  	_ =	shalt  }
0x74: {  	_ =	shalt  }
0x75: {  	_ =	shalt  }
0x76: {  	_ =	shalt  }
0x77: {  	_ =	shalt  }
0x78: {  	_ =	shalt  }
0x79: {  	_ =	shalt  }
0x7a: {  	_ =	shalt  }
0x7b: {  	_ =	shalt  }
0x7c: {  	_ =	shalt  }
0x7d: {  	_ =	shalt  }
0x7e: {  	_ =	shalt  }
0x7f: {  	_ =	shalt  }
0x80: {  	_ =	shalt  }
0x81: {  	_ =	shalt  }
0x82: {  	_ =	shalt  }
0x83: {  	_ =	shalt  }
0x84: {  	_ =	shalt  }
0x85: {  	_ =	shalt  }
0x86: {  	_ =	shalt  }
0x87: {  	_ =	shalt  }
.Lfunc_end0:
.L_simem_size_0:
called_computation_lowered:
.L_overlay_start_0:
0x88: {  	s2 =	sld [smem:$0x3FD9]  }
0x89: {  	s3 =	sld [smem:$0x3FFE];
	_ =	sdelay $0x1  }
0x8a: {  	s1 =	srdreg.scid  }
0x8b: {  	s0 =	sand.u32 $0x1, s1  }
0x8c: {  	s16 =	sshll.u32 s0, $0xA;
	s2 =	sadd.s32 s3, s2  }
0x8d: {  	s2 =	sadd.s32 s2, s16  }
0x8e: {  	[smem:$0x3FBC] =	sst s2  }
0x8f: {  	_ = 	snop  }
0x90: {  	(tm) =	ssettm $0x1  }
0x91: {  	s17 =	sld [smem:$0x3FFB];
	_ =	sdelay $0x3  }
0x92: {  	_ =	strace s17  }
0x93: {  	s2 =	sld [smem:$0x3FFC];
	_ =	sdelay $0x3  }
0x94: {  	_ =	strace s2  }
0x95: {  	s2 =	sld [smem:$0x3FFD];
	_ =	sdelay $0x3  }
0x96: {  	_ =	strace s2  }
0x97: {  	_ =	strace $0x8FFFFFFF  }
0x98: {  	s18 =	sld [smem:$0x3FDB];
	_ =	sdelay $0x1  }
0x99: {  	s19 =	simm.s32 $_scs_section_size  }
0x9a: {  	s4 =	simm.s32 $_size__tile_overlayer_lowered;
	s5 =	simm.s32 $_tile_overlayer_lowered  }
0x9b: {  	s22 =	simm.s32 $0x1BFF;
	s21 =	sshll.u32 s5, $0x1;
	s2 =	sadd.s32 s19, s18  }
0x9c: {  	s6 =	simm.s32 $0x0;
	s20 =	sshll.u32 s4, $0x1;
	s4 =	sadd.s32 s21, s2  }
0x9d: {  	[timem:s6], [sflag:s22] =	dma.local [hbm:s4], s20  }
0x9e: {  	_ =	swait.ge [sflag:s22], s20  }
0x9f: {  	s3 =	ssub.s32 $0x0, s20;
	[sflag:s22] =	ssyncset.done $0x0  }
0xa0: {  	[sflag:s22] =	ssyncadd.s32 s3;
	_ =	sdelay $0x1  }
0xa1: {  	s23 =	simm.s32 $0x1B8B  }
0xa2: {  	_ =	swait.ge [sflag:s23], $0x1  }
0xa3: {  	[sflag:s23] =	ssyncset.done $0x0  }
0xa4: {  	s25 =	simm.s32 $0x1B8E;
	s24 =	sld [smem:$0x3FFE];
	[sflag:s23] =	ssyncadd.s32 $0xFFFFFFFF  }
0xa5: {  	s26 =	simm.s32 $execute0_lowered;
	[smem:$0x3FD2] =	sst s25  }
0xa6: {  	s4 =	sshll.u32 s26, $0x1;
	_ =	strace $0x80000046;
	[dreg:$0x1] =	wrdreg $0xFFFFFFFF  }
0xa7: {  	s28 =	simm.s32 $_size_execute0_lowered;
	s2 =	sadd.s32 s2, s4;
	[dreg:$0x0] =	wrdreg $0x0  }
0xa8: {  	s4 =	sshll.u32 s28, $0x1;
	[dreg:$0x2] =	wrdreg s2  }
0xa9: {  	[dreg:$0x3] =	wrdreg s4  }
0xaa: {  	[dreg:$0x4] =	wrdreg $0xC0  }
0xab: {  	_ =	task [dreg:s6], $0x5FFFF  }
0xac: {  	[dreg:$0x1] =	wrdreg $0xFFFFFFFF  }
0xad: {  	[dreg:$0x0] =	wrdreg $0x60  }
0xae: {  	[dreg:$0x2] =	wrdreg s24  }
0xaf: {  	[dreg:$0x3] =	wrdreg $0x9  }
0xb0: {  	_ =	task.clear_ibuf [dreg:s6], $0x4FFFF;
	_ =	strace $0x90000046  }
0xb1: {  	s29 =	simm.s32 $0x9;
	_ =	strace $0x80000048  }
0xb2: {  	_ =	swait.ge [sflag:s29], $0x1  }
0xb3: {  	[sflag:s29] =	ssyncadd.s32 $0xFFFFFFFF  }
0xb4: {  	_ =	strace $0x90000048  }
0xb5: {  	_ =	sfence  }
0xb6: {  	s30 =	sld [smem:$0x0];
	_ =	sdelay $0x2  }
0xb7: {  	s31 =	sshll.u32 s1, $0xD;
	s1 =	sshrl.u32 s1, $0x2  }
0xb8: {  	s3 =	sand.u32 $0x4000, s31;
	s1 =	sadd.s32 s1, s30  }
0xb9: {  	s0 =	sor.u32 s3, s0;
	s1 =	sshll.u32 s1, $0x11  }
0xba: {  	s0 =	sor.u32 s1, s0  }
0xbb: {  	s0 =	sadd.s32 $0x8F2B, s0  }
0xbc: {  	[sflag:s0] =	ssyncadd.remote.s32 $0x1  }
0xbd: {  	_ =	sfence.sel $0xFFFF  }
0xbe: {  	[dreg:$0x0] =	wrdreg $0xFFFFFFFF;
	(pc) =	sbr.abs _section_cstart, $3  }
0xbf: {  	[dreg:$0x1] =	wrdreg $0xFFFFFFFF  }
0xc0: {  	_ =	task.clear_ibuf [dreg:s6], $0x2FFFF;
	_ =	strace $0x9FFFFFFF  }
0xc1: {  	(tm) =	ssettm $0x7FFFFFFF  }
tec
execute0_lowered:
.L_overlay_start_1:
0x0: {  	(tag) =	ssettag $0x1  }
0x1: {  	s4 =	rddreg [dreg:$0x0]  }
0x2: {  	s0 =	rddreg [dreg:$0x1];
	s2 =	simm.s32 $0x0;
	s5 =	srdreg.scid  }
0x3: {  	s1 =	stileid.u32;
	s11 =	simm.s32 $0xA000;
	s12 =	simm.s32 $0xE800  }
0x4: {  	s13 =	simm.s32 $0x1;
	s14 =	simm.s32 $0x0;
	[smem:$0x7FF] =	sst s2  }
0x5: {  	s3 =	sadd.s32 $0x2000, s4;
	s5 =	sand.u32 $0x1, s5;
	s6 =	sshll.u32 s1, $0xA  }
0x6: {  	s8 =	smul.u32 $0x24000, s1;
	_ =	strace $0x80000047;
	s7 =	sshll.u32 s5, $0x9  }
0x7: {  	s9 =	ssub.s32 $0x2, s5;
	s10 =	smul.u32 $0x12000, s5;
	s6 =	sor.u32 s7, s6  }
0x8: {  	s29 =	sshrl.u32 s9, $0x1;
	s31 =	sadd.s32 s8, s4;
	s8 =	simm.s32 $0x80  }
0x9: {  	s30 =	sadd.s32 s6, s4;
	s7 =	ssub.s32 s9, s29;
	s6 =	sadd.s32 s10, s31  }
0xa: {  	s9 =	simm.s32 $0x1000;
	s10 =	simm.s32 $0x5800;
	s4 =	sadd.s32 $0x26000, s30  }
0xb: {  	s5 =	smax.u32 s7, $0x1;
	s6 =	sadd.s32 $0x2A000, s6;
	s7 =	simm.s32 $0x2  }
.LBB2_1:
0xc: {  	[tilespmem:s2], [sflag:$0x2] =	stream.linear.gather [hbm4b:s4+s2], $0x1000, $0x38;
	[tilespmem:$0x13000] =	vst v63  }
0xd: {  	_ =	swait.ge [sflag:s7], $0x1000  }
0xe: {  	[sflag:s7] =	ssyncset.done $0x0  }
0xf: {  	s15 =	simm.s32 $0x0;
	[sflag:s7] =	ssyncadd.s32 $0xFFFFF000  }
0x10: {  	[tilespmem:s9], [sflag:$0x1] =	stream.indirect.gather [hbm4b:s3+s8], $0x90, s15, s8, $0xb8;
	[tilespmem:$0x13000] =	vst v63  }
0x11: {  	s28 =	simm.s32 $0x80  }
0x12: {  	[tilespmem:s10], [sflag:$0x1] =	stream.indirect.gather [hbm4b:s3+s8], $0x90, s28, s8, $0xb8;
	[tilespmem:$0x13000] =	vst v63  }
0x13: {  	s29 =	simm.s32 $0x100  }
0x14: {  	[tilespmem:s11], [sflag:$0x1] =	stream.indirect.gather [hbm4b:s3+s8], $0x90, s29, s8, $0xb8;
	[tilespmem:$0x13000] =	vst v63  }
0x15: {  	s30 =	simm.s32 $0x180  }
0x16: {  	[tilespmem:s12], [sflag:$0x1] =	stream.indirect.gather [hbm4b:s3+s8], $0x90, s30, s8, $0xb8;
	[tilespmem:$0x13000] =	vst v63  }
0x17: {  	_ =	swait.ge [sflag:s13], $0x4800  }
0x18: {  	[sflag:s13] =	ssyncset.done $0x0  }
0x19: {  	[sflag:s13] =	ssyncadd.s32 $0xFFFFB800  }
0x1a: {  	_ =	swait.ge [sflag:s13], $0x4800  }
0x1b: {  	[sflag:s13] =	ssyncset.done $0x0  }
0x1c: {  	[sflag:s13] =	ssyncadd.s32 $0xFFFFB800  }
0x1d: {  	_ =	swait.ge [sflag:s13], $0x4800  }
0x1e: {  	[sflag:s13] =	ssyncset.done $0x0  }
0x1f: {  	[sflag:s13] =	ssyncadd.s32 $0xFFFFB800  }
0x20: {  	_ =	swait.ge [sflag:s13], $0x4800  }
0x21: {  	[sflag:s13] =	ssyncset.done $0x0  }
0x22: {  	s31 =	sadd.s32 $0x0, s6;
	[sflag:s13] =	ssyncadd.s32 $0xFFFFB800  }
0x23: {  	[hbm4b:s31+s2] =	stream.linear.scatter [tilespmem:s9], [sflag:$0x2], $0x12000, $0x38;
	[tilespmem:$0x13000] =	vst v63  }
0x24: {  	s17 =	simm.s32 $0x4800;
	_ =	swait.ge [sflag:s7], $0x12000  }
0x25: {  	s16 =	simm.s32 $0x380;
	s15 =	simm.s32 $0x2400;
	[sflag:s7] =	ssyncset.done $0x0  }
.LBB2_2:
0x26: {  	p0 =	sne.s32 s17, $0xFC00;
	s18 =	sadd.s32 $0xFFFFFE80, s16;
	[sflag:s7] =	ssyncadd.s32 $0xFFFEE000  }
0x27: {  	[tilespmem:s9], [sflag:$0x1] =	stream.indirect.gather [hbm4b:s3+s8], $0x90, s18, s8, $0xb8;
	[tilespmem:$0x13000] =	vst v63  }
0x28: {  	s19 =	smov.u32 s17;
	s17 =	sadd.s32 $0x2400, s17;
	s18 =	sadd.s32 $0xFFFFFF00, s16  }
0x29: {  	[tilespmem:s10], [sflag:$0x1] =	stream.indirect.gather [hbm4b:s3+s8], $0x90, s18, s8, $0xb8;
	[tilespmem:$0x13000] =	vst v63  }
0x2a: {  	s18 =	sadd.s32 $0xFFFFFF80, s16  }
0x2b: {  	[tilespmem:s11], [sflag:$0x1] =	stream.indirect.gather [hbm4b:s3+s8], $0x90, s18, s8, $0xb8;
	[tilespmem:$0x13000] =	vst v63  }
0x2c: {  	_ = 	snop  }
0x2d: {  	[tilespmem:s12], [sflag:$0x1] =	stream.indirect.gather [hbm4b:s3+s8], $0x90, s16, s8, $0xb8;
	[tilespmem:$0x13000] =	vst v63  }
0x2e: {  	_ =	swait.ge [sflag:s13], $0x4800  }
0x2f: {  	[sflag:s13] =	ssyncset.done $0x0  }
0x30: {  	[sflag:s13] =	ssyncadd.s32 $0xFFFFB800  }
0x31: {  	_ =	swait.ge [sflag:s13], $0x4800  }
0x32: {  	[sflag:s13] =	ssyncset.done $0x0  }
0x33: {  	[sflag:s13] =	ssyncadd.s32 $0xFFFFB800  }
0x34: {  	_ =	swait.ge [sflag:s13], $0x4800  }
0x35: {  	[sflag:s13] =	ssyncset.done $0x0  }
0x36: {  	[sflag:s13] =	ssyncadd.s32 $0xFFFFB800  }
0x37: {  	_ =	swait.ge [sflag:s13], $0x4800  }
.Ltmp0:
0x38: {  	[sflag:s13] =	ssyncset.done $0x0;
	(pc) =	sbr.rel @p0 .LBB2_2-.Ltmp0, $4  }
0x39: {  	s18 =	sadd.s32 s15, s6;
	s15 =	smov.u32 s19;
	[sflag:s13] =	ssyncadd.s32 $0xFFFFB800  }
0x3a: {  	[hbm4b:s18+s2] =	stream.linear.scatter [tilespmem:s9], [sflag:$0x2], $0x12000, $0x38;
	[tilespmem:$0x13000] =	vst v63  }
0x3b: {  	_ =	swait.ge [sflag:s7], $0x12000  }
0x3c: {  	s16 =	sadd.s32 $0x200, s16;
	[sflag:s7] =	ssyncset.done $0x0  }
0x3d: {  	s17 =	sadd.s32 $0xFFFFFE80, s16;
	[sflag:s7] =	ssyncadd.s32 $0xFFFEE000  }
0x3e: {  	[tilespmem:s9], [sflag:$0x1] =	stream.indirect.gather [hbm4b:s3+s8], $0x90, s17, s8, $0xb8;
	[tilespmem:$0x13000] =	vst v63  }
0x3f: {  	s30 =	sadd.s32 $0xFFFFFF00, s16  }
0x40: {  	[tilespmem:s10], [sflag:$0x1] =	stream.indirect.gather [hbm4b:s3+s8], $0x90, s30, s8, $0xb8;
	[tilespmem:$0x13000] =	vst v63  }
0x41: {  	s31 =	sadd.s32 $0xFFFFFF80, s16  }
0x42: {  	[tilespmem:s11], [sflag:$0x1] =	stream.indirect.gather [hbm4b:s3+s8], $0x90, s31, s8, $0xb8;
	[tilespmem:$0x13000] =	vst v63  }
0x43: {  	_ = 	snop  }
0x44: {  	[tilespmem:s12], [sflag:$0x1] =	stream.indirect.gather [hbm4b:s3+s8], $0x90, s16, s8, $0xb8;
	[tilespmem:$0x13000] =	vst v63  }
0x45: {  	_ =	swait.ge [sflag:s13], $0x4800  }
0x46: {  	[sflag:s13] =	ssyncset.done $0x0  }
0x47: {  	[sflag:s13] =	ssyncadd.s32 $0xFFFFB800  }
0x48: {  	_ =	swait.ge [sflag:s13], $0x4800  }
0x49: {  	[sflag:s13] =	ssyncset.done $0x0  }
0x4a: {  	[sflag:s13] =	ssyncadd.s32 $0xFFFFB800  }
0x4b: {  	_ =	swait.ge [sflag:s13], $0x4800  }
0x4c: {  	[sflag:s13] =	ssyncset.done $0x0  }
0x4d: {  	[sflag:s13] =	ssyncadd.s32 $0xFFFFB800  }
0x4e: {  	s14 =	sadd.s32 $0x1, s14;
	_ =	swait.ge [sflag:s13], $0x4800  }
0x4f: {  	p0 =	sne.s32 s14, s5;
	[sflag:s13] =	ssyncset.done $0x0  }
.Ltmp1:
0x50: {  	s15 =	sadd.s32 s15, s6;
	[sflag:s13] =	ssyncadd.s32 $0xFFFFB800;
	(pc) =	sbr.rel @p0 .LBB2_1-.Ltmp1, $4  }
0x51: {  	[hbm4b:s15+s2] =	stream.linear.scatter [tilespmem:s9], [sflag:$0x2], $0x12000, $0x38;
	[tilespmem:$0x13000] =	vst v63  }
0x52: {  	_ =	swait.ge [sflag:s7], $0x12000  }
0x53: {  	[sflag:s7] =	ssyncset.done $0x0  }
0x54: {  	[sflag:s7] =	ssyncadd.s32 $0xFFFEE000  }
0x55: {  	_ =	sfence.sel $0x180000  }
0x56: {  	[bflag:$0x0] =	sbarrier.arrive $0xFFFF  }
0x57: {  	p0 =	sne.s32 s1, $0x0;
	_ =	strace $0x90000047  }
0x58: {  	s0 =	sadd.s32 @!p0 $0x100000, s0;
	[bflag:$0x2] =	sbarrier.arrive $0xFFFF  }
0x59: {  	[sflag:s0] =	ssyncadd.tile.s32 @!p0 $0x1;
	_ =	shalt  }
.Lfunc_end2:
_tile_overlayer_lowered:
.L_overlay_start_2:
0x5a: {  	(tag) =	ssettag $0x2  }
0x5b: {  	s0 =	rddreg [dreg:$0x0];
	s2 =	stileid.u32  }
0x5c: {  	s1 =	rddreg [dreg:$0x1];
	p0 =	sne.s32 s2, $0x0  }
0x5d: {  	s3 =	rddreg [dreg:$0x2];
	[bflag:$0x3] =	sbarrier.arrive $0xFFFF;
	s2 =	simm.s32 @!p0 $0x1C02  }
0x5e: {  	[timem:s3], [sflag:s2] =	dma.local @!p0 [hbm:s0], s1  }
0x5f: {  	s0 =	simm.s32 @!p0 $0x2  }
0x60: {  	_ =	swait.ge @!p0 [sflag:s0], s1  }
0x61: {  	s1 =	ssub.s32 @!p0 $0x0, s1;
	[sflag:s0] =	ssyncset.done @!p0 $0x0  }
0x62: {  	[sflag:s0] =	ssyncadd.s32 @!p0 s1  }
0x63: {  	[bflag:$0x3] =	sbarrier.arrive $0xFFFF  }
0x64: {  	_ =	shalt  }

</sc_bundles>
